<compile_context>
chip_gen: v7x
topology: tpu7x:2x2x1
jax: 0.10.2.dev20260603
libtpu: 0.0.44.dev20260713+nightly
codegen_flags: <defaults>
</compile_context>

<pallas_src>
import functools

import jax
import jax.numpy as jnp
from jax import lax
from jax.experimental import pallas as pl
from jax.experimental.pallas import tpu as pltpu
from jax.experimental.pallas import tpu_sc as plsc

N = 4096
L = 16
CHUNKS = N // L
CSUM = 2048.0
MAX_ROUNDS = 7
UNROLL = 8

_f32 = jnp.float32
_i32 = jnp.int32


def _treesum(vs):
    vs = list(vs)
    while len(vs) > 1:
        vs = [a + b for a, b in zip(vs[0::2], vs[1::2])]
    return vs[0]


def _allsum(v, iota):
    for k in (1, 2, 4, 8):
        idx = lax.bitwise_xor(iota, jnp.int32(k))
        v = v + v.at[idx].get(mode="promise_in_bounds")
    return v


def _proj_body(y_hbm, z_hbm, y_v, z_v):
    cid = lax.axis_index("c")
    sid = lax.axis_index("s")

    @pl.when(jnp.logical_and(cid == 0, sid == 0))
    def _():
        pltpu.sync_copy(y_hbm, y_v)
        iota = lax.iota(_i32, L)
        zero = jnp.zeros((L,), _f32)

        def round0(_, carry):
            t_vec, _ = carry
            negt = 0.0 - t_vec

            def body(g, accs):
                base = g * (UNROLL * L)
                out = []
                for k in range(UNROLL):
                    s_vec, c_vec = accs[2 * k], accs[2 * k + 1]
                    yv = y_v[pl.ds(base + k * L, L)]
                    keep = yv >= negt
                    out.append(s_vec + jnp.where(keep, yv, 0.0))
                    out.append(c_vec + jnp.where(keep, 1.0, 0.0))
                return tuple(out)

            accs = lax.fori_loop(0, CHUNKS // UNROLL, body,
                                 (zero,) * (2 * UNROLL))
            s_vec = _treesum(accs[0::2])
            c_vec = _treesum(accs[1::2])
            s = _allsum(s_vec, iota)
            mrest = _allsum(c_vec, iota)
            m = jnp.maximum(mrest, 1.0)
            return (CSUM - s) / m, mrest

        big = jnp.full((L,), 1e30, _f32)
        t0_vec, m0_vec = lax.fori_loop(0, MAX_ROUNDS, round0, (big, big))

        negt0 = 0.0 - t0_vec

        def round1(_, t_vec):
            hi = 1.0 - t_vec

            def body(g, accs):
                base = g * (UNROLL * L)
                out = []
                for k in range(UNROLL):
                    s_vec, c_vec = accs[2 * k], accs[2 * k + 1]
                    yv = y_v[pl.ds(base + k * L, L)]
                    in0_f = jnp.where(yv >= negt0, 1.0, 0.0)
                    rest_f = jnp.where(yv > hi, 0.0, in0_f)
                    out.append(s_vec + yv * rest_f)
                    out.append(c_vec + rest_f)
                return tuple(out)

            accs = lax.fori_loop(0, CHUNKS // UNROLL, body,
                                 (zero,) * (2 * UNROLL))
            s_vec = _treesum(accs[0::2])
            c_vec = _treesum(accs[1::2])
            s = _allsum(s_vec, iota)
            mrest = _allsum(c_vec, iota)
            m = jnp.maximum(mrest, 1.0)
            return (CSUM - (m0_vec - mrest) - s) / m

        t1_vec = lax.fori_loop(0, MAX_ROUNDS, round1, t0_vec)

        def wbody(j, carry):
            yv = y_v[pl.ds(j * L, L)]
            in0 = yv >= negt0
            z_v[pl.ds(j * L, L)] = jnp.where(
                in0, jnp.minimum(yv + t1_vec, 1.0), 0.0)
            return carry

        lax.fori_loop(0, CHUNKS, wbody, jnp.int32(0), unroll=UNROLL)
        pltpu.sync_copy(z_v, z_hbm)


_proj = functools.partial(
    pl.kernel,
    out_type=jax.ShapeDtypeStruct((N,), _f32),
    mesh=plsc.VectorSubcoreMesh(core_axis_name="c", subcore_axis_name="s", num_cores=1, num_subcores=1),
    scratch_types=[
        pltpu.VMEM((N,), _f32),
        pltpu.VMEM((N,), _f32),
    ],
)(_proj_body)


def kernel(y):
    return _proj(y.reshape(N))

# --- scband reference (transcript-rebuilt; emitter-appended) ---
"""Pipeline reference for scband-opt-layer-9749575762688 (READ-ONLY COPY).

The authoritative reference and input builder live on the scoring server;
editing this copy changes nothing except your own understanding.
"""

import jax, jax.numpy as jnp
import numpy as np

NUM_ACTIONS = 4096
NBIKES = 2048.0
LOWER = 0.0
UPPER = 1.0


def _project(y):
    # Iterative projection of y onto {z : sum(z) = NBIKES, LOWER <= z_i <= UPPER}.
    # Faithful translation of the TF while-loop: phase 0 clamps entries that fall
    # below the lower bound, phase 1 clamps entries above the upper bound; the
    # residual budget C is redistributed equally among unclamped entries each round.
    lower = jnp.full((NUM_ACTIONS,), LOWER, dtype=jnp.float32)
    upper = jnp.full((NUM_ACTIONS,), UPPER, dtype=jnp.float32)

    def cond(state):
        phase, unclamped, z, C_un = state
        return phase < 2

    def body(state):
        phase, unclamped, z, C_un = state
        uf = unclamped.astype(jnp.float32)
        m = jnp.maximum(jnp.sum(uf), 1.0)
        sum_y = jnp.sum(y * uf)
        z_cand = jnp.where(unclamped, y + (C_un - sum_y) / m, z)
        below = unclamped & (z_cand < lower)
        above = unclamped & (z_cand > upper)
        clamp = jnp.where(phase == 0, below, above)
        clamp_val = jnp.where(phase == 0, lower, upper)
        z_new = jnp.where(clamp, clamp_val, z_cand)
        n_clamped = jnp.sum(clamp.astype(jnp.int32))
        C_new = C_un - jnp.sum(jnp.where(clamp, z_new, 0.0))
        unclamped_new = unclamped & jnp.logical_not(clamp)
        phase_new = jnp.where(n_clamped == 0, phase + 1, phase)
        return (phase_new, unclamped_new, z_new, C_new)

    init = (jnp.int32(0),
            jnp.ones((NUM_ACTIONS,), dtype=bool),
            jnp.zeros((NUM_ACTIONS,), dtype=jnp.float32),
            jnp.float32(NBIKES))
    phase, unclamped, z, C_un = jax.lax.while_loop(cond, body, init)
    return z, unclamped


def setup_inputs(seed: int = 0) -> dict:
    key = jax.random.key(seed)
    y = jax.random.normal(key, (1, NUM_ACTIONS), dtype=jnp.float32)
    return {"y": y}


def reference(y):
    z, _ = _project(y[0])
    return z

if __name__ == "__main__":
    import jax
    _d = setup_inputs()
    print(jax.jit(kernel)(*tuple(_d.values())))

</pallas_src>

<mosaic_0001>
#map = affine_map<(d0, d1) -> (0)>
module attributes {stable_mosaic.version = 14 : i64} {
  func.func @_proj_body(%arg0: i32, %arg1: i32, %arg2: memref<4096xf32, #tpu.memory_space<hbm>>, %arg3: memref<4096xf32, #tpu.memory_space<hbm>>, %arg4: memref<4096xf32, #tpu.memory_space<vmem>>, %arg5: memref<4096xf32, #tpu.memory_space<vmem>>) attributes {dimension_semantics = [#tpu.dimension_semantics<core_parallel>, #tpu.dimension_semantics<subcore_parallel>], iteration_bounds = array<i64: 1, 1>, scalar_prefetch = 0 : i64, scratch_operands = 2 : i64, tpu.core_type = #tpu.core_type<sc_vector_subcore>, window_params = [{transform_indices = #map}, {transform_indices = #map}]} {
    %eq3A = arith.constant 0 : i32
    %eq3A_0 = arith.cmpi eq, %arg0, %eq3A : i32
    %eq3A_1 = arith.constant 0 : i32
    %eq3A_2 = arith.cmpi eq, %arg1, %eq3A_1 : i32
    %and3A = arith.andi %eq3A_0, %eq3A_2 : i1
    %convert_element_type3A = arith.extui %and3A : i1 to i32
    %cond3A = arith.constant 0 : i32
    %cond3A_3 = arith.cmpi ne, %convert_element_type3A, %cond3A : i32
    scf.if %cond3A_3 {
      "tpu.region"() ({
        %run_scoped3A = tpu.sem_alloc : memref<!tpu.dma_semaphore, #tpu.memory_space<semaphore_mem>>
        tpu.enqueue_dma source(%arg2 : memref<4096xf32, #tpu.memory_space<hbm>>) target(%arg4 : memref<4096xf32, #tpu.memory_space<vmem>>) target_semaphore(%run_scoped3A : memref<!tpu.dma_semaphore, #tpu.memory_space<semaphore_mem>>)
        tpu.wait_dma2 semaphore(%run_scoped3A : memref<!tpu.dma_semaphore, #tpu.memory_space<semaphore_mem>>) src(%arg2 : memref<4096xf32, #tpu.memory_space<hbm>>) dst(%arg4 : memref<4096xf32, #tpu.memory_space<vmem>>)
        tpu.yield
      }) : () -> ()
      %iota3A = tpu.iota {dimensions = array<i32: 0>} : vector<16xi32>
      %broadcast_in_dim3A = arith.constant 0.000000e+00 : f32
      %broadcast_in_dim3A_4 = vector.broadcast %broadcast_in_dim3A : f32 to vector<16xf32>
      %broadcast_in_dim3A_5 = arith.constant 1.000000e+30 : f32
      %broadcast_in_dim3A_6 = vector.broadcast %broadcast_in_dim3A_5 : f32 to vector<16xf32>
      %scan3A = arith.constant 0 : i32
      %scan3A_7 = arith.constant 7 : i32
      %scan3A_8 = arith.addi %scan3A, %scan3A_7 : i32
      %scan3A_9 = arith.constant 1 : i32
      %scan3A_10:2 = scf.for %scan3A_26 = %scan3A to %scan3A_8 step %scan3A_9 iter_args(%scan3A_27 = %broadcast_in_dim3A_6, %scan3A_28 = %broadcast_in_dim3A_6) -> (vector<16xf32>, vector<16xf32>)  : i32 {
        %sub3A_29 = arith.constant 0.000000e+00 : f32
        %sub3A_30 = vector.broadcast %sub3A_29 : f32 to vector<16xf32>
        %sub3A_31 = arith.subf %sub3A_30, %scan3A_27 : vector<16xf32>
        %scan3A_32 = arith.constant 0 : i32
        %scan3A_33 = arith.constant 32 : i32
        %scan3A_34 = arith.addi %scan3A_32, %scan3A_33 : i32
        %scan3A_35 = arith.constant 1 : i32
        %scan3A_36:16 = scf.for %scan3A_164 = %scan3A_32 to %scan3A_34 step %scan3A_35 iter_args(%scan3A_165 = %broadcast_in_dim3A_4, %scan3A_166 = %broadcast_in_dim3A_4, %scan3A_167 = %broadcast_in_dim3A_4, %scan3A_168 = %broadcast_in_dim3A_4, %scan3A_169 = %broadcast_in_dim3A_4, %scan3A_170 = %broadcast_in_dim3A_4, %scan3A_171 = %broadcast_in_dim3A_4, %scan3A_172 = %broadcast_in_dim3A_4, %scan3A_173 = %broadcast_in_dim3A_4, %scan3A_174 = %broadcast_in_dim3A_4, %scan3A_175 = %broadcast_in_dim3A_4, %scan3A_176 = %broadcast_in_dim3A_4, %scan3A_177 = %broadcast_in_dim3A_4, %scan3A_178 = %broadcast_in_dim3A_4, %scan3A_179 = %broadcast_in_dim3A_4, %scan3A_180 = %broadcast_in_dim3A_4) -> (vector<16xf32>, vector<16xf32>, vector<16xf32>, vector<16xf32>, vector<16xf32>, vector<16xf32>, vector<16xf32>, vector<16xf32>, vector<16xf32>, vector<16xf32>, vector<16xf32>, vector<16xf32>, vector<16xf32>, vector<16xf32>, vector<16xf32>, vector<16xf32>)  : i32 {
          %mul3A = arith.constant 128 : i32
          %mul3A_181 = arith.muli %scan3A_164, %mul3A : i32
          %add3A_182 = arith.constant 0 : i32
          %add3A_183 = arith.addi %mul3A_181, %add3A_182 : i32
          %get3A = arith.index_cast %add3A_183 : i32 to index
          %get3A_184 = tpu.vector_load %arg4[%get3A] {strides = array<i32>} : memref<4096xf32, #tpu.memory_space<vmem>>, vector<16xf32>,
          %get3A_185 = vector.shape_cast %get3A_184 : vector<16xf32> to vector<16xf32>
          %ge3A = arith.cmpf oge, %get3A_185, %sub3A_31 : vector<16xf32>
          %jit3A = arith.constant 0.000000e+00 : f32
          %broadcast_in_dim3A_186 = vector.broadcast %jit3A : f32 to vector<16xf32>
          %select_n3A_187 = arith.select %ge3A, %get3A_185, %broadcast_in_dim3A_186 : vector<16xi1>, vector<16xf32>
          %add3A_188 = arith.addf %scan3A_165, %select_n3A_187 : vector<16xf32>
          %jit3A_189 = arith.constant 1.000000e+00 : f32
          %jit3A_190 = arith.constant 0.000000e+00 : f32
          %broadcast_in_dim3A_191 = vector.broadcast %jit3A_189 : f32 to vector<16xf32>
          %broadcast_in_dim3A_192 = vector.broadcast %jit3A_190 : f32 to vector<16xf32>
          %select_n3A_193 = arith.select %ge3A, %broadcast_in_dim3A_191, %broadcast_in_dim3A_192 : vector<16xi1>, vector<16xf32>
          %add3A_194 = arith.addf %scan3A_166, %select_n3A_193 : vector<16xf32>
          %add3A_195 = arith.constant 16 : i32
          %add3A_196 = arith.addi %mul3A_181, %add3A_195 : i32
          %get3A_197 = arith.index_cast %add3A_196 : i32 to index
          %get3A_198 = tpu.vector_load %arg4[%get3A_197] {strides = array<i32>} : memref<4096xf32, #tpu.memory_space<vmem>>, vector<16xf32>,
          %get3A_199 = vector.shape_cast %get3A_198 : vector<16xf32> to vector<16xf32>
          %ge3A_200 = arith.cmpf oge, %get3A_199, %sub3A_31 : vector<16xf32>
          %jit3A_201 = arith.constant 0.000000e+00 : f32
          %broadcast_in_dim3A_202 = vector.broadcast %jit3A_201 : f32 to vector<16xf32>
          %select_n3A_203 = arith.select %ge3A_200, %get3A_199, %broadcast_in_dim3A_202 : vector<16xi1>, vector<16xf32>
          %add3A_204 = arith.addf %scan3A_167, %select_n3A_203 : vector<16xf32>
          %jit3A_205 = arith.constant 1.000000e+00 : f32
          %jit3A_206 = arith.constant 0.000000e+00 : f32
          %broadcast_in_dim3A_207 = vector.broadcast %jit3A_205 : f32 to vector<16xf32>
          %broadcast_in_dim3A_208 = vector.broadcast %jit3A_206 : f32 to vector<16xf32>
          %select_n3A_209 = arith.select %ge3A_200, %broadcast_in_dim3A_207, %broadcast_in_dim3A_208 : vector<16xi1>, vector<16xf32>
          %add3A_210 = arith.addf %scan3A_168, %select_n3A_209 : vector<16xf32>
          %add3A_211 = arith.constant 32 : i32
          %add3A_212 = arith.addi %mul3A_181, %add3A_211 : i32
          %get3A_213 = arith.index_cast %add3A_212 : i32 to index
          %get3A_214 = tpu.vector_load %arg4[%get3A_213] {strides = array<i32>} : memref<4096xf32, #tpu.memory_space<vmem>>, vector<16xf32>,
          %get3A_215 = vector.shape_cast %get3A_214 : vector<16xf32> to vector<16xf32>
          %ge3A_216 = arith.cmpf oge, %get3A_215, %sub3A_31 : vector<16xf32>
          %jit3A_217 = arith.constant 0.000000e+00 : f32
          %broadcast_in_dim3A_218 = vector.broadcast %jit3A_217 : f32 to vector<16xf32>
          %select_n3A_219 = arith.select %ge3A_216, %get3A_215, %broadcast_in_dim3A_218 : vector<16xi1>, vector<16xf32>
          %add3A_220 = arith.addf %scan3A_169, %select_n3A_219 : vector<16xf32>
          %jit3A_221 = arith.constant 1.000000e+00 : f32
          %jit3A_222 = arith.constant 0.000000e+00 : f32
          %broadcast_in_dim3A_223 = vector.broadcast %jit3A_221 : f32 to vector<16xf32>
          %broadcast_in_dim3A_224 = vector.broadcast %jit3A_222 : f32 to vector<16xf32>
          %select_n3A_225 = arith.select %ge3A_216, %broadcast_in_dim3A_223, %broadcast_in_dim3A_224 : vector<16xi1>, vector<16xf32>
          %add3A_226 = arith.addf %scan3A_170, %select_n3A_225 : vector<16xf32>
          %add3A_227 = arith.constant 48 : i32
          %add3A_228 = arith.addi %mul3A_181, %add3A_227 : i32
          %get3A_229 = arith.index_cast %add3A_228 : i32 to index
          %get3A_230 = tpu.vector_load %arg4[%get3A_229] {strides = array<i32>} : memref<4096xf32, #tpu.memory_space<vmem>>, vector<16xf32>,
          %get3A_231 = vector.shape_cast %get3A_230 : vector<16xf32> to vector<16xf32>
          %ge3A_232 = arith.cmpf oge, %get3A_231, %sub3A_31 : vector<16xf32>
          %jit3A_233 = arith.constant 0.000000e+00 : f32
          %broadcast_in_dim3A_234 = vector.broadcast %jit3A_233 : f32 to vector<16xf32>
          %select_n3A_235 = arith.select %ge3A_232, %get3A_231, %broadcast_in_dim3A_234 : vector<16xi1>, vector<16xf32>
          %add3A_236 = arith.addf %scan3A_171, %select_n3A_235 : vector<16xf32>
          %jit3A_237 = arith.constant 1.000000e+00 : f32
          %jit3A_238 = arith.constant 0.000000e+00 : f32
          %broadcast_in_dim3A_239 = vector.broadcast %jit3A_237 : f32 to vector<16xf32>
          %broadcast_in_dim3A_240 = vector.broadcast %jit3A_238 : f32 to vector<16xf32>
          %select_n3A_241 = arith.select %ge3A_232, %broadcast_in_dim3A_239, %broadcast_in_dim3A_240 : vector<16xi1>, vector<16xf32>
          %add3A_242 = arith.addf %scan3A_172, %select_n3A_241 : vector<16xf32>
          %add3A_243 = arith.constant 64 : i32
          %add3A_244 = arith.addi %mul3A_181, %add3A_243 : i32
          %get3A_245 = arith.index_cast %add3A_244 : i32 to index
          %get3A_246 = tpu.vector_load %arg4[%get3A_245] {strides = array<i32>} : memref<4096xf32, #tpu.memory_space<vmem>>, vector<16xf32>,
          %get3A_247 = vector.shape_cast %get3A_246 : vector<16xf32> to vector<16xf32>
          %ge3A_248 = arith.cmpf oge, %get3A_247, %sub3A_31 : vector<16xf32>
          %jit3A_249 = arith.constant 0.000000e+00 : f32
          %broadcast_in_dim3A_250 = vector.broadcast %jit3A_249 : f32 to vector<16xf32>
          %select_n3A_251 = arith.select %ge3A_248, %get3A_247, %broadcast_in_dim3A_250 : vector<16xi1>, vector<16xf32>
          %add3A_252 = arith.addf %scan3A_173, %select_n3A_251 : vector<16xf32>
          %jit3A_253 = arith.constant 1.000000e+00 : f32
          %jit3A_254 = arith.constant 0.000000e+00 : f32
          %broadcast_in_dim3A_255 = vector.broadcast %jit3A_253 : f32 to vector<16xf32>
          %broadcast_in_dim3A_256 = vector.broadcast %jit3A_254 : f32 to vector<16xf32>
          %select_n3A_257 = arith.select %ge3A_248, %broadcast_in_dim3A_255, %broadcast_in_dim3A_256 : vector<16xi1>, vector<16xf32>
          %add3A_258 = arith.addf %scan3A_174, %select_n3A_257 : vector<16xf32>
          %add3A_259 = arith.constant 80 : i32
          %add3A_260 = arith.addi %mul3A_181, %add3A_259 : i32
          %get3A_261 = arith.index_cast %add3A_260 : i32 to index
          %get3A_262 = tpu.vector_load %arg4[%get3A_261] {strides = array<i32>} : memref<4096xf32, #tpu.memory_space<vmem>>, vector<16xf32>,
          %get3A_263 = vector.shape_cast %get3A_262 : vector<16xf32> to vector<16xf32>
          %ge3A_264 = arith.cmpf oge, %get3A_263, %sub3A_31 : vector<16xf32>
          %jit3A_265 = arith.constant 0.000000e+00 : f32
          %broadcast_in_dim3A_266 = vector.broadcast %jit3A_265 : f32 to vector<16xf32>
          %select_n3A_267 = arith.select %ge3A_264, %get3A_263, %broadcast_in_dim3A_266 : vector<16xi1>, vector<16xf32>
          %add3A_268 = arith.addf %scan3A_175, %select_n3A_267 : vector<16xf32>
          %jit3A_269 = arith.constant 1.000000e+00 : f32
          %jit3A_270 = arith.constant 0.000000e+00 : f32
          %broadcast_in_dim3A_271 = vector.broadcast %jit3A_269 : f32 to vector<16xf32>
          %broadcast_in_dim3A_272 = vector.broadcast %jit3A_270 : f32 to vector<16xf32>
          %select_n3A_273 = arith.select %ge3A_264, %broadcast_in_dim3A_271, %broadcast_in_dim3A_272 : vector<16xi1>, vector<16xf32>
          %add3A_274 = arith.addf %scan3A_176, %select_n3A_273 : vector<16xf32>
          %add3A_275 = arith.constant 96 : i32
          %add3A_276 = arith.addi %mul3A_181, %add3A_275 : i32
          %get3A_277 = arith.index_cast %add3A_276 : i32 to index
          %get3A_278 = tpu.vector_load %arg4[%get3A_277] {strides = array<i32>} : memref<4096xf32, #tpu.memory_space<vmem>>, vector<16xf32>,
          %get3A_279 = vector.shape_cast %get3A_278 : vector<16xf32> to vector<16xf32>
          %ge3A_280 = arith.cmpf oge, %get3A_279, %sub3A_31 : vector<16xf32>
          %jit3A_281 = arith.constant 0.000000e+00 : f32
          %broadcast_in_dim3A_282 = vector.broadcast %jit3A_281 : f32 to vector<16xf32>
          %select_n3A_283 = arith.select %ge3A_280, %get3A_279, %broadcast_in_dim3A_282 : vector<16xi1>, vector<16xf32>
          %add3A_284 = arith.addf %scan3A_177, %select_n3A_283 : vector<16xf32>
          %jit3A_285 = arith.constant 1.000000e+00 : f32
          %jit3A_286 = arith.constant 0.000000e+00 : f32
          %broadcast_in_dim3A_287 = vector.broadcast %jit3A_285 : f32 to vector<16xf32>
          %broadcast_in_dim3A_288 = vector.broadcast %jit3A_286 : f32 to vector<16xf32>
          %select_n3A_289 = arith.select %ge3A_280, %broadcast_in_dim3A_287, %broadcast_in_dim3A_288 : vector<16xi1>, vector<16xf32>
          %add3A_290 = arith.addf %scan3A_178, %select_n3A_289 : vector<16xf32>
          %add3A_291 = arith.constant 112 : i32
          %add3A_292 = arith.addi %mul3A_181, %add3A_291 : i32
          %get3A_293 = arith.index_cast %add3A_292 : i32 to index
          %get3A_294 = tpu.vector_load %arg4[%get3A_293] {strides = array<i32>} : memref<4096xf32, #tpu.memory_space<vmem>>, vector<16xf32>,
          %get3A_295 = vector.shape_cast %get3A_294 : vector<16xf32> to vector<16xf32>
          %ge3A_296 = arith.cmpf oge, %get3A_295, %sub3A_31 : vector<16xf32>
          %jit3A_297 = arith.constant 0.000000e+00 : f32
          %broadcast_in_dim3A_298 = vector.broadcast %jit3A_297 : f32 to vector<16xf32>
          %select_n3A_299 = arith.select %ge3A_296, %get3A_295, %broadcast_in_dim3A_298 : vector<16xi1>, vector<16xf32>
          %add3A_300 = arith.addf %scan3A_179, %select_n3A_299 : vector<16xf32>
          %jit3A_301 = arith.constant 1.000000e+00 : f32
          %jit3A_302 = arith.constant 0.000000e+00 : f32
          %broadcast_in_dim3A_303 = vector.broadcast %jit3A_301 : f32 to vector<16xf32>
          %broadcast_in_dim3A_304 = vector.broadcast %jit3A_302 : f32 to vector<16xf32>
          %select_n3A_305 = arith.select %ge3A_296, %broadcast_in_dim3A_303, %broadcast_in_dim3A_304 : vector<16xi1>, vector<16xf32>
          %add3A_306 = arith.addf %scan3A_180, %select_n3A_305 : vector<16xf32>
          scf.yield %add3A_188, %add3A_194, %add3A_204, %add3A_210, %add3A_220, %add3A_226, %add3A_236, %add3A_242, %add3A_252, %add3A_258, %add3A_268, %add3A_274, %add3A_284, %add3A_290, %add3A_300, %add3A_306 : vector<16xf32>, vector<16xf32>, vector<16xf32>, vector<16xf32>, vector<16xf32>, vector<16xf32>, vector<16xf32>, vector<16xf32>, vector<16xf32>, vector<16xf32>, vector<16xf32>, vector<16xf32>, vector<16xf32>, vector<16xf32>, vector<16xf32>, vector<16xf32>
        }
        %scan3A_37 = arith.constant 32 : i32
        %add3A = arith.addf %scan3A_36#0, %scan3A_36#2 : vector<16xf32>
        %add3A_38 = arith.addf %scan3A_36#4, %scan3A_36#6 : vector<16xf32>
        %add3A_39 = arith.addf %scan3A_36#8, %scan3A_36#10 : vector<16xf32>
        %add3A_40 = arith.addf %scan3A_36#12, %scan3A_36#14 : vector<16xf32>
        %add3A_41 = arith.addf %add3A, %add3A_38 : vector<16xf32>
        %add3A_42 = arith.addf %add3A_39, %add3A_40 : vector<16xf32>
        %add3A_43 = arith.addf %add3A_41, %add3A_42 : vector<16xf32>
        %add3A_44 = arith.addf %scan3A_36#1, %scan3A_36#3 : vector<16xf32>
        %add3A_45 = arith.addf %scan3A_36#5, %scan3A_36#7 : vector<16xf32>
        %add3A_46 = arith.addf %scan3A_36#9, %scan3A_36#11 : vector<16xf32>
        %add3A_47 = arith.addf %scan3A_36#13, %scan3A_36#15 : vector<16xf32>
        %add3A_48 = arith.addf %add3A_44, %add3A_45 : vector<16xf32>
        %add3A_49 = arith.addf %add3A_46, %add3A_47 : vector<16xf32>
        %add3A_50 = arith.addf %add3A_48, %add3A_49 : vector<16xf32>
        %xor3A = arith.constant 1 : i32
        %xor3A_51 = vector.broadcast %xor3A : i32 to vector<16xi32>
        %xor3A_52 = arith.xori %iota3A, %xor3A_51 : vector<16xi32>
        %lt3A = arith.constant 0 : i32
        %lt3A_53 = vector.broadcast %lt3A : i32 to vector<16xi32>
        %lt3A_54 = arith.cmpi slt, %xor3A_52, %lt3A_53 : vector<16xi32>
        %add3A_55 = arith.constant 16 : i32
        %add3A_56 = vector.broadcast %add3A_55 : i32 to vector<16xi32>
        %add3A_57 = arith.addi %xor3A_52, %add3A_56 : vector<16xi32>
        %select_n3A = arith.select %lt3A_54, %add3A_57, %xor3A_52 : vector<16xi1>, vector<16xi32>
        %broadcast_in_dim3A_58 = vector.shape_cast %select_n3A : vector<16xi32> to vector<16x1xi32>
        %gather3A = vector.shape_cast %broadcast_in_dim3A_58 : vector<16x1xi32> to vector<16xi32>
        %gather3A_59 = tpu.dynamic_gather %add3A_43[%gather3A] in [0] : vector<16xf32>, vector<16xi32> -> vector<16xf32>
        %add3A_60 = arith.addf %add3A_43, %gather3A_59 : vector<16xf32>
        %xor3A_61 = arith.constant 2 : i32
        %xor3A_62 = vector.broadcast %xor3A_61 : i32 to vector<16xi32>
        %xor3A_63 = arith.xori %iota3A, %xor3A_62 : vector<16xi32>
        %lt3A_64 = arith.constant 0 : i32
        %lt3A_65 = vector.broadcast %lt3A_64 : i32 to vector<16xi32>
        %lt3A_66 = arith.cmpi slt, %xor3A_63, %lt3A_65 : vector<16xi32>
        %add3A_67 = arith.constant 16 : i32
        %add3A_68 = vector.broadcast %add3A_67 : i32 to vector<16xi32>
        %add3A_69 = arith.addi %xor3A_63, %add3A_68 : vector<16xi32>
        %select_n3A_70 = arith.select %lt3A_66, %add3A_69, %xor3A_63 : vector<16xi1>, vector<16xi32>
        %broadcast_in_dim3A_71 = vector.shape_cast %select_n3A_70 : vector<16xi32> to vector<16x1xi32>
        %gather3A_72 = vector.shape_cast %broadcast_in_dim3A_71 : vector<16x1xi32> to vector<16xi32>
        %gather3A_73 = tpu.dynamic_gather %add3A_60[%gather3A_72] in [0] : vector<16xf32>, vector<16xi32> -> vector<16xf32>
        %add3A_74 = arith.addf %add3A_60, %gather3A_73 : vector<16xf32>
        %xor3A_75 = arith.constant 4 : i32
        %xor3A_76 = vector.broadcast %xor3A_75 : i32 to vector<16xi32>
        %xor3A_77 = arith.xori %iota3A, %xor3A_76 : vector<16xi32>
        %lt3A_78 = arith.constant 0 : i32
        %lt3A_79 = vector.broadcast %lt3A_78 : i32 to vector<16xi32>
        %lt3A_80 = arith.cmpi slt, %xor3A_77, %lt3A_79 : vector<16xi32>
        %add3A_81 = arith.constant 16 : i32
        %add3A_82 = vector.broadcast %add3A_81 : i32 to vector<16xi32>
        %add3A_83 = arith.addi %xor3A_77, %add3A_82 : vector<16xi32>
        %select_n3A_84 = arith.select %lt3A_80, %add3A_83, %xor3A_77 : vector<16xi1>, vector<16xi32>
        %broadcast_in_dim3A_85 = vector.shape_cast %select_n3A_84 : vector<16xi32> to vector<16x1xi32>
        %gather3A_86 = vector.shape_cast %broadcast_in_dim3A_85 : vector<16x1xi32> to vector<16xi32>
        %gather3A_87 = tpu.dynamic_gather %add3A_74[%gather3A_86] in [0] : vector<16xf32>, vector<16xi32> -> vector<16xf32>
        %add3A_88 = arith.addf %add3A_74, %gather3A_87 : vector<16xf32>
        %xor3A_89 = arith.constant 8 : i32
        %xor3A_90 = vector.broadcast %xor3A_89 : i32 to vector<16xi32>
        %xor3A_91 = arith.xori %iota3A, %xor3A_90 : vector<16xi32>
        %lt3A_92 = arith.constant 0 : i32
        %lt3A_93 = vector.broadcast %lt3A_92 : i32 to vector<16xi32>
        %lt3A_94 = arith.cmpi slt, %xor3A_91, %lt3A_93 : vector<16xi32>
        %add3A_95 = arith.constant 16 : i32
        %add3A_96 = vector.broadcast %add3A_95 : i32 to vector<16xi32>
        %add3A_97 = arith.addi %xor3A_91, %add3A_96 : vector<16xi32>
        %select_n3A_98 = arith.select %lt3A_94, %add3A_97, %xor3A_91 : vector<16xi1>, vector<16xi32>
        %broadcast_in_dim3A_99 = vector.shape_cast %select_n3A_98 : vector<16xi32> to vector<16x1xi32>
        %gather3A_100 = vector.shape_cast %broadcast_in_dim3A_99 : vector<16x1xi32> to vector<16xi32>
        %gather3A_101 = tpu.dynamic_gather %add3A_88[%gather3A_100] in [0] : vector<16xf32>, vector<16xi32> -> vector<16xf32>
        %add3A_102 = arith.addf %add3A_88, %gather3A_101 : vector<16xf32>
        %xor3A_103 = arith.constant 1 : i32
        %xor3A_104 = vector.broadcast %xor3A_103 : i32 to vector<16xi32>
        %xor3A_105 = arith.xori %iota3A, %xor3A_104 : vector<16xi32>
        %lt3A_106 = arith.constant 0 : i32
        %lt3A_107 = vector.broadcast %lt3A_106 : i32 to vector<16xi32>
        %lt3A_108 = arith.cmpi slt, %xor3A_105, %lt3A_107 : vector<16xi32>
        %add3A_109 = arith.constant 16 : i32
        %add3A_110 = vector.broadcast %add3A_109 : i32 to vector<16xi32>
        %add3A_111 = arith.addi %xor3A_105, %add3A_110 : vector<16xi32>
        %select_n3A_112 = arith.select %lt3A_108, %add3A_111, %xor3A_105 : vector<16xi1>, vector<16xi32>
        %broadcast_in_dim3A_113 = vector.shape_cast %select_n3A_112 : vector<16xi32> to vector<16x1xi32>
        %gather3A_114 = vector.shape_cast %broadcast_in_dim3A_113 : vector<16x1xi32> to vector<16xi32>
        %gather3A_115 = tpu.dynamic_gather %add3A_50[%gather3A_114] in [0] : vector<16xf32>, vector<16xi32> -> vector<16xf32>
        %add3A_116 = arith.addf %add3A_50, %gather3A_115 : vector<16xf32>
        %xor3A_117 = arith.constant 2 : i32
        %xor3A_118 = vector.broadcast %xor3A_117 : i32 to vector<16xi32>
        %xor3A_119 = arith.xori %iota3A, %xor3A_118 : vector<16xi32>
        %lt3A_120 = arith.constant 0 : i32
        %lt3A_121 = vector.broadcast %lt3A_120 : i32 to vector<16xi32>
        %lt3A_122 = arith.cmpi slt, %xor3A_119, %lt3A_121 : vector<16xi32>
        %add3A_123 = arith.constant 16 : i32
        %add3A_124 = vector.broadcast %add3A_123 : i32 to vector<16xi32>
        %add3A_125 = arith.addi %xor3A_119, %add3A_124 : vector<16xi32>
        %select_n3A_126 = arith.select %lt3A_122, %add3A_125, %xor3A_119 : vector<16xi1>, vector<16xi32>
        %broadcast_in_dim3A_127 = vector.shape_cast %select_n3A_126 : vector<16xi32> to vector<16x1xi32>
        %gather3A_128 = vector.shape_cast %broadcast_in_dim3A_127 : vector<16x1xi32> to vector<16xi32>
        %gather3A_129 = tpu.dynamic_gather %add3A_116[%gather3A_128] in [0] : vector<16xf32>, vector<16xi32> -> vector<16xf32>
        %add3A_130 = arith.addf %add3A_116, %gather3A_129 : vector<16xf32>
        %xor3A_131 = arith.constant 4 : i32
        %xor3A_132 = vector.broadcast %xor3A_131 : i32 to vector<16xi32>
        %xor3A_133 = arith.xori %iota3A, %xor3A_132 : vector<16xi32>
        %lt3A_134 = arith.constant 0 : i32
        %lt3A_135 = vector.broadcast %lt3A_134 : i32 to vector<16xi32>
        %lt3A_136 = arith.cmpi slt, %xor3A_133, %lt3A_135 : vector<16xi32>
        %add3A_137 = arith.constant 16 : i32
        %add3A_138 = vector.broadcast %add3A_137 : i32 to vector<16xi32>
        %add3A_139 = arith.addi %xor3A_133, %add3A_138 : vector<16xi32>
        %select_n3A_140 = arith.select %lt3A_136, %add3A_139, %xor3A_133 : vector<16xi1>, vector<16xi32>
        %broadcast_in_dim3A_141 = vector.shape_cast %select_n3A_140 : vector<16xi32> to vector<16x1xi32>
        %gather3A_142 = vector.shape_cast %broadcast_in_dim3A_141 : vector<16x1xi32> to vector<16xi32>
        %gather3A_143 = tpu.dynamic_gather %add3A_130[%gather3A_142] in [0] : vector<16xf32>, vector<16xi32> -> vector<16xf32>
        %add3A_144 = arith.addf %add3A_130, %gather3A_143 : vector<16xf32>
        %xor3A_145 = arith.constant 8 : i32
        %xor3A_146 = vector.broadcast %xor3A_145 : i32 to vector<16xi32>
        %xor3A_147 = arith.xori %iota3A, %xor3A_146 : vector<16xi32>
        %lt3A_148 = arith.constant 0 : i32
        %lt3A_149 = vector.broadcast %lt3A_148 : i32 to vector<16xi32>
        %lt3A_150 = arith.cmpi slt, %xor3A_147, %lt3A_149 : vector<16xi32>
        %add3A_151 = arith.constant 16 : i32
        %add3A_152 = vector.broadcast %add3A_151 : i32 to vector<16xi32>
        %add3A_153 = arith.addi %xor3A_147, %add3A_152 : vector<16xi32>
        %select_n3A_154 = arith.select %lt3A_150, %add3A_153, %xor3A_147 : vector<16xi1>, vector<16xi32>
        %broadcast_in_dim3A_155 = vector.shape_cast %select_n3A_154 : vector<16xi32> to vector<16x1xi32>
        %gather3A_156 = vector.shape_cast %broadcast_in_dim3A_155 : vector<16x1xi32> to vector<16xi32>
        %gather3A_157 = tpu.dynamic_gather %add3A_144[%gather3A_156] in [0] : vector<16xf32>, vector<16xi32> -> vector<16xf32>
        %add3A_158 = arith.addf %add3A_144, %gather3A_157 : vector<16xf32>
        %max3A = arith.constant 1.000000e+00 : f32
        %max3A_159 = vector.broadcast %max3A : f32 to vector<16xf32>
        %max3A_160 = arith.maximumf %add3A_158, %max3A_159 : vector<16xf32>
        %sub3A_161 = arith.constant 2.048000e+03 : f32
        %sub3A_162 = vector.broadcast %sub3A_161 : f32 to vector<16xf32>
        %sub3A_163 = arith.subf %sub3A_162, %add3A_102 : vector<16xf32>
        %div3A = arith.divf %sub3A_163, %max3A_160 : vector<16xf32>
        scf.yield %div3A, %add3A_158 : vector<16xf32>, vector<16xf32>
      }
      %scan3A_11 = arith.constant 7 : i32
      %sub3A = arith.constant 0.000000e+00 : f32
      %sub3A_12 = vector.broadcast %sub3A : f32 to vector<16xf32>
      %sub3A_13 = arith.subf %sub3A_12, %scan3A_10#0 : vector<16xf32>
      %scan3A_14 = arith.constant 0 : i32
      %scan3A_15 = arith.constant 7 : i32
      %scan3A_16 = arith.addi %scan3A_14, %scan3A_15 : i32
      %scan3A_17 = arith.constant 1 : i32
      %scan3A_18 = scf.for %scan3A_26 = %scan3A_14 to %scan3A_16 step %scan3A_17 iter_args(%scan3A_27 = %scan3A_10#0) -> (vector<16xf32>)  : i32 {
        %sub3A_28 = arith.constant 1.000000e+00 : f32
        %sub3A_29 = vector.broadcast %sub3A_28 : f32 to vector<16xf32>
        %sub3A_30 = arith.subf %sub3A_29, %scan3A_27 : vector<16xf32>
        %scan3A_31 = arith.constant 0 : i32
        %scan3A_32 = arith.constant 32 : i32
        %scan3A_33 = arith.addi %scan3A_31, %scan3A_32 : i32
        %scan3A_34 = arith.constant 1 : i32
        %scan3A_35:16 = scf.for %scan3A_165 = %scan3A_31 to %scan3A_33 step %scan3A_34 iter_args(%scan3A_166 = %broadcast_in_dim3A_4, %scan3A_167 = %broadcast_in_dim3A_4, %scan3A_168 = %broadcast_in_dim3A_4, %scan3A_169 = %broadcast_in_dim3A_4, %scan3A_170 = %broadcast_in_dim3A_4, %scan3A_171 = %broadcast_in_dim3A_4, %scan3A_172 = %broadcast_in_dim3A_4, %scan3A_173 = %broadcast_in_dim3A_4, %scan3A_174 = %broadcast_in_dim3A_4, %scan3A_175 = %broadcast_in_dim3A_4, %scan3A_176 = %broadcast_in_dim3A_4, %scan3A_177 = %broadcast_in_dim3A_4, %scan3A_178 = %broadcast_in_dim3A_4, %scan3A_179 = %broadcast_in_dim3A_4, %scan3A_180 = %broadcast_in_dim3A_4, %scan3A_181 = %broadcast_in_dim3A_4) -> (vector<16xf32>, vector<16xf32>, vector<16xf32>, vector<16xf32>, vector<16xf32>, vector<16xf32>, vector<16xf32>, vector<16xf32>, vector<16xf32>, vector<16xf32>, vector<16xf32>, vector<16xf32>, vector<16xf32>, vector<16xf32>, vector<16xf32>, vector<16xf32>)  : i32 {
          %mul3A = arith.constant 128 : i32
          %mul3A_182 = arith.muli %scan3A_165, %mul3A : i32
          %add3A_183 = arith.constant 0 : i32
          %add3A_184 = arith.addi %mul3A_182, %add3A_183 : i32
          %get3A = arith.index_cast %add3A_184 : i32 to index
          %get3A_185 = tpu.vector_load %arg4[%get3A] {strides = array<i32>} : memref<4096xf32, #tpu.memory_space<vmem>>, vector<16xf32>,
          %get3A_186 = vector.shape_cast %get3A_185 : vector<16xf32> to vector<16xf32>
          %ge3A = arith.cmpf oge, %get3A_186, %sub3A_13 : vector<16xf32>
          %jit3A = arith.constant 1.000000e+00 : f32
          %jit3A_187 = arith.constant 0.000000e+00 : f32
          %broadcast_in_dim3A_188 = vector.broadcast %jit3A : f32 to vector<16xf32>
          %broadcast_in_dim3A_189 = vector.broadcast %jit3A_187 : f32 to vector<16xf32>
          %select_n3A_190 = arith.select %ge3A, %broadcast_in_dim3A_188, %broadcast_in_dim3A_189 : vector<16xi1>, vector<16xf32>
          %gt3A = arith.cmpf ogt, %get3A_186, %sub3A_30 : vector<16xf32>
          %jit3A_191 = arith.constant 0.000000e+00 : f32
          %broadcast_in_dim3A_192 = vector.broadcast %jit3A_191 : f32 to vector<16xf32>
          %select_n3A_193 = arith.select %gt3A, %broadcast_in_dim3A_192, %select_n3A_190 : vector<16xi1>, vector<16xf32>
          %mul3A_194 = arith.mulf %get3A_186, %select_n3A_193 : vector<16xf32>
          %add3A_195 = arith.addf %scan3A_166, %mul3A_194 : vector<16xf32>
          %add3A_196 = arith.addf %scan3A_167, %select_n3A_193 : vector<16xf32>
          %add3A_197 = arith.constant 16 : i32
          %add3A_198 = arith.addi %mul3A_182, %add3A_197 : i32
          %get3A_199 = arith.index_cast %add3A_198 : i32 to index
          %get3A_200 = tpu.vector_load %arg4[%get3A_199] {strides = array<i32>} : memref<4096xf32, #tpu.memory_space<vmem>>, vector<16xf32>,
          %get3A_201 = vector.shape_cast %get3A_200 : vector<16xf32> to vector<16xf32>
          %ge3A_202 = arith.cmpf oge, %get3A_201, %sub3A_13 : vector<16xf32>
          %jit3A_203 = arith.constant 1.000000e+00 : f32
          %jit3A_204 = arith.constant 0.000000e+00 : f32
          %broadcast_in_dim3A_205 = vector.broadcast %jit3A_203 : f32 to vector<16xf32>
          %broadcast_in_dim3A_206 = vector.broadcast %jit3A_204 : f32 to vector<16xf32>
          %select_n3A_207 = arith.select %ge3A_202, %broadcast_in_dim3A_205, %broadcast_in_dim3A_206 : vector<16xi1>, vector<16xf32>
          %gt3A_208 = arith.cmpf ogt, %get3A_201, %sub3A_30 : vector<16xf32>
          %jit3A_209 = arith.constant 0.000000e+00 : f32
          %broadcast_in_dim3A_210 = vector.broadcast %jit3A_209 : f32 to vector<16xf32>
          %select_n3A_211 = arith.select %gt3A_208, %broadcast_in_dim3A_210, %select_n3A_207 : vector<16xi1>, vector<16xf32>
          %mul3A_212 = arith.mulf %get3A_201, %select_n3A_211 : vector<16xf32>
          %add3A_213 = arith.addf %scan3A_168, %mul3A_212 : vector<16xf32>
          %add3A_214 = arith.addf %scan3A_169, %select_n3A_211 : vector<16xf32>
          %add3A_215 = arith.constant 32 : i32
          %add3A_216 = arith.addi %mul3A_182, %add3A_215 : i32
          %get3A_217 = arith.index_cast %add3A_216 : i32 to index
          %get3A_218 = tpu.vector_load %arg4[%get3A_217] {strides = array<i32>} : memref<4096xf32, #tpu.memory_space<vmem>>, vector<16xf32>,
          %get3A_219 = vector.shape_cast %get3A_218 : vector<16xf32> to vector<16xf32>
          %ge3A_220 = arith.cmpf oge, %get3A_219, %sub3A_13 : vector<16xf32>
          %jit3A_221 = arith.constant 1.000000e+00 : f32
          %jit3A_222 = arith.constant 0.000000e+00 : f32
          %broadcast_in_dim3A_223 = vector.broadcast %jit3A_221 : f32 to vector<16xf32>
          %broadcast_in_dim3A_224 = vector.broadcast %jit3A_222 : f32 to vector<16xf32>
          %select_n3A_225 = arith.select %ge3A_220, %broadcast_in_dim3A_223, %broadcast_in_dim3A_224 : vector<16xi1>, vector<16xf32>
          %gt3A_226 = arith.cmpf ogt, %get3A_219, %sub3A_30 : vector<16xf32>
          %jit3A_227 = arith.constant 0.000000e+00 : f32
          %broadcast_in_dim3A_228 = vector.broadcast %jit3A_227 : f32 to vector<16xf32>
          %select_n3A_229 = arith.select %gt3A_226, %broadcast_in_dim3A_228, %select_n3A_225 : vector<16xi1>, vector<16xf32>
          %mul3A_230 = arith.mulf %get3A_219, %select_n3A_229 : vector<16xf32>
          %add3A_231 = arith.addf %scan3A_170, %mul3A_230 : vector<16xf32>
          %add3A_232 = arith.addf %scan3A_171, %select_n3A_229 : vector<16xf32>
          %add3A_233 = arith.constant 48 : i32
          %add3A_234 = arith.addi %mul3A_182, %add3A_233 : i32
          %get3A_235 = arith.index_cast %add3A_234 : i32 to index
          %get3A_236 = tpu.vector_load %arg4[%get3A_235] {strides = array<i32>} : memref<4096xf32, #tpu.memory_space<vmem>>, vector<16xf32>,
          %get3A_237 = vector.shape_cast %get3A_236 : vector<16xf32> to vector<16xf32>
          %ge3A_238 = arith.cmpf oge, %get3A_237, %sub3A_13 : vector<16xf32>
          %jit3A_239 = arith.constant 1.000000e+00 : f32
          %jit3A_240 = arith.constant 0.000000e+00 : f32
          %broadcast_in_dim3A_241 = vector.broadcast %jit3A_239 : f32 to vector<16xf32>
          %broadcast_in_dim3A_242 = vector.broadcast %jit3A_240 : f32 to vector<16xf32>
          %select_n3A_243 = arith.select %ge3A_238, %broadcast_in_dim3A_241, %broadcast_in_dim3A_242 : vector<16xi1>, vector<16xf32>
          %gt3A_244 = arith.cmpf ogt, %get3A_237, %sub3A_30 : vector<16xf32>
          %jit3A_245 = arith.constant 0.000000e+00 : f32
          %broadcast_in_dim3A_246 = vector.broadcast %jit3A_245 : f32 to vector<16xf32>
          %select_n3A_247 = arith.select %gt3A_244, %broadcast_in_dim3A_246, %select_n3A_243 : vector<16xi1>, vector<16xf32>
          %mul3A_248 = arith.mulf %get3A_237, %select_n3A_247 : vector<16xf32>
          %add3A_249 = arith.addf %scan3A_172, %mul3A_248 : vector<16xf32>
          %add3A_250 = arith.addf %scan3A_173, %select_n3A_247 : vector<16xf32>
          %add3A_251 = arith.constant 64 : i32
          %add3A_252 = arith.addi %mul3A_182, %add3A_251 : i32
          %get3A_253 = arith.index_cast %add3A_252 : i32 to index
          %get3A_254 = tpu.vector_load %arg4[%get3A_253] {strides = array<i32>} : memref<4096xf32, #tpu.memory_space<vmem>>, vector<16xf32>,
          %get3A_255 = vector.shape_cast %get3A_254 : vector<16xf32> to vector<16xf32>
          %ge3A_256 = arith.cmpf oge, %get3A_255, %sub3A_13 : vector<16xf32>
          %jit3A_257 = arith.constant 1.000000e+00 : f32
          %jit3A_258 = arith.constant 0.000000e+00 : f32
          %broadcast_in_dim3A_259 = vector.broadcast %jit3A_257 : f32 to vector<16xf32>
          %broadcast_in_dim3A_260 = vector.broadcast %jit3A_258 : f32 to vector<16xf32>
          %select_n3A_261 = arith.select %ge3A_256, %broadcast_in_dim3A_259, %broadcast_in_dim3A_260 : vector<16xi1>, vector<16xf32>
          %gt3A_262 = arith.cmpf ogt, %get3A_255, %sub3A_30 : vector<16xf32>
          %jit3A_263 = arith.constant 0.000000e+00 : f32
          %broadcast_in_dim3A_264 = vector.broadcast %jit3A_263 : f32 to vector<16xf32>
          %select_n3A_265 = arith.select %gt3A_262, %broadcast_in_dim3A_264, %select_n3A_261 : vector<16xi1>, vector<16xf32>
          %mul3A_266 = arith.mulf %get3A_255, %select_n3A_265 : vector<16xf32>
          %add3A_267 = arith.addf %scan3A_174, %mul3A_266 : vector<16xf32>
          %add3A_268 = arith.addf %scan3A_175, %select_n3A_265 : vector<16xf32>
          %add3A_269 = arith.constant 80 : i32
          %add3A_270 = arith.addi %mul3A_182, %add3A_269 : i32
          %get3A_271 = arith.index_cast %add3A_270 : i32 to index
          %get3A_272 = tpu.vector_load %arg4[%get3A_271] {strides = array<i32>} : memref<4096xf32, #tpu.memory_space<vmem>>, vector<16xf32>,
          %get3A_273 = vector.shape_cast %get3A_272 : vector<16xf32> to vector<16xf32>
          %ge3A_274 = arith.cmpf oge, %get3A_273, %sub3A_13 : vector<16xf32>
          %jit3A_275 = arith.constant 1.000000e+00 : f32
          %jit3A_276 = arith.constant 0.000000e+00 : f32
          %broadcast_in_dim3A_277 = vector.broadcast %jit3A_275 : f32 to vector<16xf32>
          %broadcast_in_dim3A_278 = vector.broadcast %jit3A_276 : f32 to vector<16xf32>
          %select_n3A_279 = arith.select %ge3A_274, %broadcast_in_dim3A_277, %broadcast_in_dim3A_278 : vector<16xi1>, vector<16xf32>
          %gt3A_280 = arith.cmpf ogt, %get3A_273, %sub3A_30 : vector<16xf32>
          %jit3A_281 = arith.constant 0.000000e+00 : f32
          %broadcast_in_dim3A_282 = vector.broadcast %jit3A_281 : f32 to vector<16xf32>
          %select_n3A_283 = arith.select %gt3A_280, %broadcast_in_dim3A_282, %select_n3A_279 : vector<16xi1>, vector<16xf32>
          %mul3A_284 = arith.mulf %get3A_273, %select_n3A_283 : vector<16xf32>
          %add3A_285 = arith.addf %scan3A_176, %mul3A_284 : vector<16xf32>
          %add3A_286 = arith.addf %scan3A_177, %select_n3A_283 : vector<16xf32>
          %add3A_287 = arith.constant 96 : i32
          %add3A_288 = arith.addi %mul3A_182, %add3A_287 : i32
          %get3A_289 = arith.index_cast %add3A_288 : i32 to index
          %get3A_290 = tpu.vector_load %arg4[%get3A_289] {strides = array<i32>} : memref<4096xf32, #tpu.memory_space<vmem>>, vector<16xf32>,
          %get3A_291 = vector.shape_cast %get3A_290 : vector<16xf32> to vector<16xf32>
          %ge3A_292 = arith.cmpf oge, %get3A_291, %sub3A_13 : vector<16xf32>
          %jit3A_293 = arith.constant 1.000000e+00 : f32
          %jit3A_294 = arith.constant 0.000000e+00 : f32
          %broadcast_in_dim3A_295 = vector.broadcast %jit3A_293 : f32 to vector<16xf32>
          %broadcast_in_dim3A_296 = vector.broadcast %jit3A_294 : f32 to vector<16xf32>
          %select_n3A_297 = arith.select %ge3A_292, %broadcast_in_dim3A_295, %broadcast_in_dim3A_296 : vector<16xi1>, vector<16xf32>
          %gt3A_298 = arith.cmpf ogt, %get3A_291, %sub3A_30 : vector<16xf32>
          %jit3A_299 = arith.constant 0.000000e+00 : f32
          %broadcast_in_dim3A_300 = vector.broadcast %jit3A_299 : f32 to vector<16xf32>
          %select_n3A_301 = arith.select %gt3A_298, %broadcast_in_dim3A_300, %select_n3A_297 : vector<16xi1>, vector<16xf32>
          %mul3A_302 = arith.mulf %get3A_291, %select_n3A_301 : vector<16xf32>
          %add3A_303 = arith.addf %scan3A_178, %mul3A_302 : vector<16xf32>
          %add3A_304 = arith.addf %scan3A_179, %select_n3A_301 : vector<16xf32>
          %add3A_305 = arith.constant 112 : i32
          %add3A_306 = arith.addi %mul3A_182, %add3A_305 : i32
          %get3A_307 = arith.index_cast %add3A_306 : i32 to index
          %get3A_308 = tpu.vector_load %arg4[%get3A_307] {strides = array<i32>} : memref<4096xf32, #tpu.memory_space<vmem>>, vector<16xf32>,
          %get3A_309 = vector.shape_cast %get3A_308 : vector<16xf32> to vector<16xf32>
          %ge3A_310 = arith.cmpf oge, %get3A_309, %sub3A_13 : vector<16xf32>
          %jit3A_311 = arith.constant 1.000000e+00 : f32
          %jit3A_312 = arith.constant 0.000000e+00 : f32
          %broadcast_in_dim3A_313 = vector.broadcast %jit3A_311 : f32 to vector<16xf32>
          %broadcast_in_dim3A_314 = vector.broadcast %jit3A_312 : f32 to vector<16xf32>
          %select_n3A_315 = arith.select %ge3A_310, %broadcast_in_dim3A_313, %broadcast_in_dim3A_314 : vector<16xi1>, vector<16xf32>
          %gt3A_316 = arith.cmpf ogt, %get3A_309, %sub3A_30 : vector<16xf32>
          %jit3A_317 = arith.constant 0.000000e+00 : f32
          %broadcast_in_dim3A_318 = vector.broadcast %jit3A_317 : f32 to vector<16xf32>
          %select_n3A_319 = arith.select %gt3A_316, %broadcast_in_dim3A_318, %select_n3A_315 : vector<16xi1>, vector<16xf32>
          %mul3A_320 = arith.mulf %get3A_309, %select_n3A_319 : vector<16xf32>
          %add3A_321 = arith.addf %scan3A_180, %mul3A_320 : vector<16xf32>
          %add3A_322 = arith.addf %scan3A_181, %select_n3A_319 : vector<16xf32>
          scf.yield %add3A_195, %add3A_196, %add3A_213, %add3A_214, %add3A_231, %add3A_232, %add3A_249, %add3A_250, %add3A_267, %add3A_268, %add3A_285, %add3A_286, %add3A_303, %add3A_304, %add3A_321, %add3A_322 : vector<16xf32>, vector<16xf32>, vector<16xf32>, vector<16xf32>, vector<16xf32>, vector<16xf32>, vector<16xf32>, vector<16xf32>, vector<16xf32>, vector<16xf32>, vector<16xf32>, vector<16xf32>, vector<16xf32>, vector<16xf32>, vector<16xf32>, vector<16xf32>
        }
        %scan3A_36 = arith.constant 32 : i32
        %add3A = arith.addf %scan3A_35#0, %scan3A_35#2 : vector<16xf32>
        %add3A_37 = arith.addf %scan3A_35#4, %scan3A_35#6 : vector<16xf32>
        %add3A_38 = arith.addf %scan3A_35#8, %scan3A_35#10 : vector<16xf32>
        %add3A_39 = arith.addf %scan3A_35#12, %scan3A_35#14 : vector<16xf32>
        %add3A_40 = arith.addf %add3A, %add3A_37 : vector<16xf32>
        %add3A_41 = arith.addf %add3A_38, %add3A_39 : vector<16xf32>
        %add3A_42 = arith.addf %add3A_40, %add3A_41 : vector<16xf32>
        %add3A_43 = arith.addf %scan3A_35#1, %scan3A_35#3 : vector<16xf32>
        %add3A_44 = arith.addf %scan3A_35#5, %scan3A_35#7 : vector<16xf32>
        %add3A_45 = arith.addf %scan3A_35#9, %scan3A_35#11 : vector<16xf32>
        %add3A_46 = arith.addf %scan3A_35#13, %scan3A_35#15 : vector<16xf32>
        %add3A_47 = arith.addf %add3A_43, %add3A_44 : vector<16xf32>
        %add3A_48 = arith.addf %add3A_45, %add3A_46 : vector<16xf32>
        %add3A_49 = arith.addf %add3A_47, %add3A_48 : vector<16xf32>
        %xor3A = arith.constant 1 : i32
        %xor3A_50 = vector.broadcast %xor3A : i32 to vector<16xi32>
        %xor3A_51 = arith.xori %iota3A, %xor3A_50 : vector<16xi32>
        %lt3A = arith.constant 0 : i32
        %lt3A_52 = vector.broadcast %lt3A : i32 to vector<16xi32>
        %lt3A_53 = arith.cmpi slt, %xor3A_51, %lt3A_52 : vector<16xi32>
        %add3A_54 = arith.constant 16 : i32
        %add3A_55 = vector.broadcast %add3A_54 : i32 to vector<16xi32>
        %add3A_56 = arith.addi %xor3A_51, %add3A_55 : vector<16xi32>
        %select_n3A = arith.select %lt3A_53, %add3A_56, %xor3A_51 : vector<16xi1>, vector<16xi32>
        %broadcast_in_dim3A_57 = vector.shape_cast %select_n3A : vector<16xi32> to vector<16x1xi32>
        %gather3A = vector.shape_cast %broadcast_in_dim3A_57 : vector<16x1xi32> to vector<16xi32>
        %gather3A_58 = tpu.dynamic_gather %add3A_42[%gather3A] in [0] : vector<16xf32>, vector<16xi32> -> vector<16xf32>
        %add3A_59 = arith.addf %add3A_42, %gather3A_58 : vector<16xf32>
        %xor3A_60 = arith.constant 2 : i32
        %xor3A_61 = vector.broadcast %xor3A_60 : i32 to vector<16xi32>
        %xor3A_62 = arith.xori %iota3A, %xor3A_61 : vector<16xi32>
        %lt3A_63 = arith.constant 0 : i32
        %lt3A_64 = vector.broadcast %lt3A_63 : i32 to vector<16xi32>
        %lt3A_65 = arith.cmpi slt, %xor3A_62, %lt3A_64 : vector<16xi32>
        %add3A_66 = arith.constant 16 : i32
        %add3A_67 = vector.broadcast %add3A_66 : i32 to vector<16xi32>
        %add3A_68 = arith.addi %xor3A_62, %add3A_67 : vector<16xi32>
        %select_n3A_69 = arith.select %lt3A_65, %add3A_68, %xor3A_62 : vector<16xi1>, vector<16xi32>
        %broadcast_in_dim3A_70 = vector.shape_cast %select_n3A_69 : vector<16xi32> to vector<16x1xi32>
        %gather3A_71 = vector.shape_cast %broadcast_in_dim3A_70 : vector<16x1xi32> to vector<16xi32>
        %gather3A_72 = tpu.dynamic_gather %add3A_59[%gather3A_71] in [0] : vector<16xf32>, vector<16xi32> -> vector<16xf32>
        %add3A_73 = arith.addf %add3A_59, %gather3A_72 : vector<16xf32>
        %xor3A_74 = arith.constant 4 : i32
        %xor3A_75 = vector.broadcast %xor3A_74 : i32 to vector<16xi32>
        %xor3A_76 = arith.xori %iota3A, %xor3A_75 : vector<16xi32>
        %lt3A_77 = arith.constant 0 : i32
        %lt3A_78 = vector.broadcast %lt3A_77 : i32 to vector<16xi32>
        %lt3A_79 = arith.cmpi slt, %xor3A_76, %lt3A_78 : vector<16xi32>
        %add3A_80 = arith.constant 16 : i32
        %add3A_81 = vector.broadcast %add3A_80 : i32 to vector<16xi32>
        %add3A_82 = arith.addi %xor3A_76, %add3A_81 : vector<16xi32>
        %select_n3A_83 = arith.select %lt3A_79, %add3A_82, %xor3A_76 : vector<16xi1>, vector<16xi32>
        %broadcast_in_dim3A_84 = vector.shape_cast %select_n3A_83 : vector<16xi32> to vector<16x1xi32>
        %gather3A_85 = vector.shape_cast %broadcast_in_dim3A_84 : vector<16x1xi32> to vector<16xi32>
        %gather3A_86 = tpu.dynamic_gather %add3A_73[%gather3A_85] in [0] : vector<16xf32>, vector<16xi32> -> vector<16xf32>
        %add3A_87 = arith.addf %add3A_73, %gather3A_86 : vector<16xf32>
        %xor3A_88 = arith.constant 8 : i32
        %xor3A_89 = vector.broadcast %xor3A_88 : i32 to vector<16xi32>
        %xor3A_90 = arith.xori %iota3A, %xor3A_89 : vector<16xi32>
        %lt3A_91 = arith.constant 0 : i32
        %lt3A_92 = vector.broadcast %lt3A_91 : i32 to vector<16xi32>
        %lt3A_93 = arith.cmpi slt, %xor3A_90, %lt3A_92 : vector<16xi32>
        %add3A_94 = arith.constant 16 : i32
        %add3A_95 = vector.broadcast %add3A_94 : i32 to vector<16xi32>
        %add3A_96 = arith.addi %xor3A_90, %add3A_95 : vector<16xi32>
        %select_n3A_97 = arith.select %lt3A_93, %add3A_96, %xor3A_90 : vector<16xi1>, vector<16xi32>
        %broadcast_in_dim3A_98 = vector.shape_cast %select_n3A_97 : vector<16xi32> to vector<16x1xi32>
        %gather3A_99 = vector.shape_cast %broadcast_in_dim3A_98 : vector<16x1xi32> to vector<16xi32>
        %gather3A_100 = tpu.dynamic_gather %add3A_87[%gather3A_99] in [0] : vector<16xf32>, vector<16xi32> -> vector<16xf32>
        %add3A_101 = arith.addf %add3A_87, %gather3A_100 : vector<16xf32>
        %xor3A_102 = arith.constant 1 : i32
        %xor3A_103 = vector.broadcast %xor3A_102 : i32 to vector<16xi32>
        %xor3A_104 = arith.xori %iota3A, %xor3A_103 : vector<16xi32>
        %lt3A_105 = arith.constant 0 : i32
        %lt3A_106 = vector.broadcast %lt3A_105 : i32 to vector<16xi32>
        %lt3A_107 = arith.cmpi slt, %xor3A_104, %lt3A_106 : vector<16xi32>
        %add3A_108 = arith.constant 16 : i32
        %add3A_109 = vector.broadcast %add3A_108 : i32 to vector<16xi32>
        %add3A_110 = arith.addi %xor3A_104, %add3A_109 : vector<16xi32>
        %select_n3A_111 = arith.select %lt3A_107, %add3A_110, %xor3A_104 : vector<16xi1>, vector<16xi32>
        %broadcast_in_dim3A_112 = vector.shape_cast %select_n3A_111 : vector<16xi32> to vector<16x1xi32>
        %gather3A_113 = vector.shape_cast %broadcast_in_dim3A_112 : vector<16x1xi32> to vector<16xi32>
        %gather3A_114 = tpu.dynamic_gather %add3A_49[%gather3A_113] in [0] : vector<16xf32>, vector<16xi32> -> vector<16xf32>
        %add3A_115 = arith.addf %add3A_49, %gather3A_114 : vector<16xf32>
        %xor3A_116 = arith.constant 2 : i32
        %xor3A_117 = vector.broadcast %xor3A_116 : i32 to vector<16xi32>
        %xor3A_118 = arith.xori %iota3A, %xor3A_117 : vector<16xi32>
        %lt3A_119 = arith.constant 0 : i32
        %lt3A_120 = vector.broadcast %lt3A_119 : i32 to vector<16xi32>
        %lt3A_121 = arith.cmpi slt, %xor3A_118, %lt3A_120 : vector<16xi32>
        %add3A_122 = arith.constant 16 : i32
        %add3A_123 = vector.broadcast %add3A_122 : i32 to vector<16xi32>
        %add3A_124 = arith.addi %xor3A_118, %add3A_123 : vector<16xi32>
        %select_n3A_125 = arith.select %lt3A_121, %add3A_124, %xor3A_118 : vector<16xi1>, vector<16xi32>
        %broadcast_in_dim3A_126 = vector.shape_cast %select_n3A_125 : vector<16xi32> to vector<16x1xi32>
        %gather3A_127 = vector.shape_cast %broadcast_in_dim3A_126 : vector<16x1xi32> to vector<16xi32>
        %gather3A_128 = tpu.dynamic_gather %add3A_115[%gather3A_127] in [0] : vector<16xf32>, vector<16xi32> -> vector<16xf32>
        %add3A_129 = arith.addf %add3A_115, %gather3A_128 : vector<16xf32>
        %xor3A_130 = arith.constant 4 : i32
        %xor3A_131 = vector.broadcast %xor3A_130 : i32 to vector<16xi32>
        %xor3A_132 = arith.xori %iota3A, %xor3A_131 : vector<16xi32>
        %lt3A_133 = arith.constant 0 : i32
        %lt3A_134 = vector.broadcast %lt3A_133 : i32 to vector<16xi32>
        %lt3A_135 = arith.cmpi slt, %xor3A_132, %lt3A_134 : vector<16xi32>
        %add3A_136 = arith.constant 16 : i32
        %add3A_137 = vector.broadcast %add3A_136 : i32 to vector<16xi32>
        %add3A_138 = arith.addi %xor3A_132, %add3A_137 : vector<16xi32>
        %select_n3A_139 = arith.select %lt3A_135, %add3A_138, %xor3A_132 : vector<16xi1>, vector<16xi32>
        %broadcast_in_dim3A_140 = vector.shape_cast %select_n3A_139 : vector<16xi32> to vector<16x1xi32>
        %gather3A_141 = vector.shape_cast %broadcast_in_dim3A_140 : vector<16x1xi32> to vector<16xi32>
        %gather3A_142 = tpu.dynamic_gather %add3A_129[%gather3A_141] in [0] : vector<16xf32>, vector<16xi32> -> vector<16xf32>
        %add3A_143 = arith.addf %add3A_129, %gather3A_142 : vector<16xf32>
        %xor3A_144 = arith.constant 8 : i32
        %xor3A_145 = vector.broadcast %xor3A_144 : i32 to vector<16xi32>
        %xor3A_146 = arith.xori %iota3A, %xor3A_145 : vector<16xi32>
        %lt3A_147 = arith.constant 0 : i32
        %lt3A_148 = vector.broadcast %lt3A_147 : i32 to vector<16xi32>
        %lt3A_149 = arith.cmpi slt, %xor3A_146, %lt3A_148 : vector<16xi32>
        %add3A_150 = arith.constant 16 : i32
        %add3A_151 = vector.broadcast %add3A_150 : i32 to vector<16xi32>
        %add3A_152 = arith.addi %xor3A_146, %add3A_151 : vector<16xi32>
        %select_n3A_153 = arith.select %lt3A_149, %add3A_152, %xor3A_146 : vector<16xi1>, vector<16xi32>
        %broadcast_in_dim3A_154 = vector.shape_cast %select_n3A_153 : vector<16xi32> to vector<16x1xi32>
        %gather3A_155 = vector.shape_cast %broadcast_in_dim3A_154 : vector<16x1xi32> to vector<16xi32>
        %gather3A_156 = tpu.dynamic_gather %add3A_143[%gather3A_155] in [0] : vector<16xf32>, vector<16xi32> -> vector<16xf32>
        %add3A_157 = arith.addf %add3A_143, %gather3A_156 : vector<16xf32>
        %max3A = arith.constant 1.000000e+00 : f32
        %max3A_158 = vector.broadcast %max3A : f32 to vector<16xf32>
        %max3A_159 = arith.maximumf %add3A_157, %max3A_158 : vector<16xf32>
        %sub3A_160 = arith.subf %scan3A_10#1, %add3A_157 : vector<16xf32>
        %sub3A_161 = arith.constant 2.048000e+03 : f32
        %sub3A_162 = vector.broadcast %sub3A_161 : f32 to vector<16xf32>
        %sub3A_163 = arith.subf %sub3A_162, %sub3A_160 : vector<16xf32>
        %sub3A_164 = arith.subf %sub3A_163, %add3A_101 : vector<16xf32>
        %div3A = arith.divf %sub3A_164, %max3A_159 : vector<16xf32>
        scf.yield %div3A : vector<16xf32>
      }
      %scan3A_19 = arith.constant 7 : i32
      %scan3A_20 = arith.constant 0 : i32
      %scan3A_21 = arith.constant 0 : i32
      %scan3A_22 = arith.constant 256 : i32
      %scan3A_23 = arith.addi %scan3A_21, %scan3A_22 : i32
      %scan3A_24 = arith.constant 8 : i32
      scf.for %scan3A_26 = %scan3A_21 to %scan3A_23 step %scan3A_24  : i32 {
        %mul3A = arith.constant 16 : i32
        %mul3A_27 = arith.muli %scan3A_26, %mul3A : i32
        %get3A = arith.index_cast %mul3A_27 : i32 to index
        %get3A_28 = tpu.vector_load %arg4[%get3A] {strides = array<i32>} : memref<4096xf32, #tpu.memory_space<vmem>>, vector<16xf32>,
        %get3A_29 = vector.shape_cast %get3A_28 : vector<16xf32> to vector<16xf32>
        %ge3A = arith.cmpf oge, %get3A_29, %sub3A_13 : vector<16xf32>
        %add3A = arith.addf %get3A_29, %scan3A_18 : vector<16xf32>
        %min3A = arith.constant 1.000000e+00 : f32
        %min3A_30 = vector.broadcast %min3A : f32 to vector<16xf32>
        %min3A_31 = arith.minimumf %add3A, %min3A_30 : vector<16xf32>
        %jit3A = arith.constant 0.000000e+00 : f32
        %broadcast_in_dim3A_32 = vector.broadcast %jit3A : f32 to vector<16xf32>
        %select_n3A = arith.select %ge3A, %min3A_31, %broadcast_in_dim3A_32 : vector<16xi1>, vector<16xf32>
        %mul3A_33 = arith.constant 16 : i32
        %mul3A_34 = arith.muli %scan3A_26, %mul3A_33 : i32
        %swap3A = arith.index_cast %mul3A_34 : i32 to index
        %swap3A_35 = tpu.vector_load %arg5[%swap3A] {strides = array<i32>} : memref<4096xf32, #tpu.memory_space<vmem>>, vector<16xf32>,
        %swap3A_36 = vector.shape_cast %swap3A_35 : vector<16xf32> to vector<16xf32>
        %swap3A_37 = vector.shape_cast %select_n3A : vector<16xf32> to vector<16xf32>
        tpu.vector_store %arg5[%swap3A], %swap3A_37 {strides = array<i32>} : memref<4096xf32, #tpu.memory_space<vmem>>, vector<16xf32>,
        %scan3A_38 = arith.constant 1 : i32
        %scan3A_39 = arith.addi %scan3A_26, %scan3A_38 : i32
        %mul3A_40 = arith.constant 16 : i32
        %mul3A_41 = arith.muli %scan3A_39, %mul3A_40 : i32
        %get3A_42 = arith.index_cast %mul3A_41 : i32 to index
        %get3A_43 = tpu.vector_load %arg4[%get3A_42] {strides = array<i32>} : memref<4096xf32, #tpu.memory_space<vmem>>, vector<16xf32>,
        %get3A_44 = vector.shape_cast %get3A_43 : vector<16xf32> to vector<16xf32>
        %ge3A_45 = arith.cmpf oge, %get3A_44, %sub3A_13 : vector<16xf32>
        %add3A_46 = arith.addf %get3A_44, %scan3A_18 : vector<16xf32>
        %min3A_47 = arith.constant 1.000000e+00 : f32
        %min3A_48 = vector.broadcast %min3A_47 : f32 to vector<16xf32>
        %min3A_49 = arith.minimumf %add3A_46, %min3A_48 : vector<16xf32>
        %jit3A_50 = arith.constant 0.000000e+00 : f32
        %broadcast_in_dim3A_51 = vector.broadcast %jit3A_50 : f32 to vector<16xf32>
        %select_n3A_52 = arith.select %ge3A_45, %min3A_49, %broadcast_in_dim3A_51 : vector<16xi1>, vector<16xf32>
        %mul3A_53 = arith.constant 16 : i32
        %mul3A_54 = arith.muli %scan3A_39, %mul3A_53 : i32
        %swap3A_55 = arith.index_cast %mul3A_54 : i32 to index
        %swap3A_56 = tpu.vector_load %arg5[%swap3A_55] {strides = array<i32>} : memref<4096xf32, #tpu.memory_space<vmem>>, vector<16xf32>,
        %swap3A_57 = vector.shape_cast %swap3A_56 : vector<16xf32> to vector<16xf32>
        %swap3A_58 = vector.shape_cast %select_n3A_52 : vector<16xf32> to vector<16xf32>
        tpu.vector_store %arg5[%swap3A_55], %swap3A_58 {strides = array<i32>} : memref<4096xf32, #tpu.memory_space<vmem>>, vector<16xf32>,
        %scan3A_59 = arith.constant 2 : i32
        %scan3A_60 = arith.addi %scan3A_26, %scan3A_59 : i32
        %mul3A_61 = arith.constant 16 : i32
        %mul3A_62 = arith.muli %scan3A_60, %mul3A_61 : i32
        %get3A_63 = arith.index_cast %mul3A_62 : i32 to index
        %get3A_64 = tpu.vector_load %arg4[%get3A_63] {strides = array<i32>} : memref<4096xf32, #tpu.memory_space<vmem>>, vector<16xf32>,
        %get3A_65 = vector.shape_cast %get3A_64 : vector<16xf32> to vector<16xf32>
        %ge3A_66 = arith.cmpf oge, %get3A_65, %sub3A_13 : vector<16xf32>
        %add3A_67 = arith.addf %get3A_65, %scan3A_18 : vector<16xf32>
        %min3A_68 = arith.constant 1.000000e+00 : f32
        %min3A_69 = vector.broadcast %min3A_68 : f32 to vector<16xf32>
        %min3A_70 = arith.minimumf %add3A_67, %min3A_69 : vector<16xf32>
        %jit3A_71 = arith.constant 0.000000e+00 : f32
        %broadcast_in_dim3A_72 = vector.broadcast %jit3A_71 : f32 to vector<16xf32>
        %select_n3A_73 = arith.select %ge3A_66, %min3A_70, %broadcast_in_dim3A_72 : vector<16xi1>, vector<16xf32>
        %mul3A_74 = arith.constant 16 : i32
        %mul3A_75 = arith.muli %scan3A_60, %mul3A_74 : i32
        %swap3A_76 = arith.index_cast %mul3A_75 : i32 to index
        %swap3A_77 = tpu.vector_load %arg5[%swap3A_76] {strides = array<i32>} : memref<4096xf32, #tpu.memory_space<vmem>>, vector<16xf32>,
        %swap3A_78 = vector.shape_cast %swap3A_77 : vector<16xf32> to vector<16xf32>
        %swap3A_79 = vector.shape_cast %select_n3A_73 : vector<16xf32> to vector<16xf32>
        tpu.vector_store %arg5[%swap3A_76], %swap3A_79 {strides = array<i32>} : memref<4096xf32, #tpu.memory_space<vmem>>, vector<16xf32>,
        %scan3A_80 = arith.constant 3 : i32
        %scan3A_81 = arith.addi %scan3A_26, %scan3A_80 : i32
        %mul3A_82 = arith.constant 16 : i32
        %mul3A_83 = arith.muli %scan3A_81, %mul3A_82 : i32
        %get3A_84 = arith.index_cast %mul3A_83 : i32 to index
        %get3A_85 = tpu.vector_load %arg4[%get3A_84] {strides = array<i32>} : memref<4096xf32, #tpu.memory_space<vmem>>, vector<16xf32>,
        %get3A_86 = vector.shape_cast %get3A_85 : vector<16xf32> to vector<16xf32>
        %ge3A_87 = arith.cmpf oge, %get3A_86, %sub3A_13 : vector<16xf32>
        %add3A_88 = arith.addf %get3A_86, %scan3A_18 : vector<16xf32>
        %min3A_89 = arith.constant 1.000000e+00 : f32
        %min3A_90 = vector.broadcast %min3A_89 : f32 to vector<16xf32>
        %min3A_91 = arith.minimumf %add3A_88, %min3A_90 : vector<16xf32>
        %jit3A_92 = arith.constant 0.000000e+00 : f32
        %broadcast_in_dim3A_93 = vector.broadcast %jit3A_92 : f32 to vector<16xf32>
        %select_n3A_94 = arith.select %ge3A_87, %min3A_91, %broadcast_in_dim3A_93 : vector<16xi1>, vector<16xf32>
        %mul3A_95 = arith.constant 16 : i32
        %mul3A_96 = arith.muli %scan3A_81, %mul3A_95 : i32
        %swap3A_97 = arith.index_cast %mul3A_96 : i32 to index
        %swap3A_98 = tpu.vector_load %arg5[%swap3A_97] {strides = array<i32>} : memref<4096xf32, #tpu.memory_space<vmem>>, vector<16xf32>,
        %swap3A_99 = vector.shape_cast %swap3A_98 : vector<16xf32> to vector<16xf32>
        %swap3A_100 = vector.shape_cast %select_n3A_94 : vector<16xf32> to vector<16xf32>
        tpu.vector_store %arg5[%swap3A_97], %swap3A_100 {strides = array<i32>} : memref<4096xf32, #tpu.memory_space<vmem>>, vector<16xf32>,
        %scan3A_101 = arith.constant 4 : i32
        %scan3A_102 = arith.addi %scan3A_26, %scan3A_101 : i32
        %mul3A_103 = arith.constant 16 : i32
        %mul3A_104 = arith.muli %scan3A_102, %mul3A_103 : i32
        %get3A_105 = arith.index_cast %mul3A_104 : i32 to index
        %get3A_106 = tpu.vector_load %arg4[%get3A_105] {strides = array<i32>} : memref<4096xf32, #tpu.memory_space<vmem>>, vector<16xf32>,
        %get3A_107 = vector.shape_cast %get3A_106 : vector<16xf32> to vector<16xf32>
        %ge3A_108 = arith.cmpf oge, %get3A_107, %sub3A_13 : vector<16xf32>
        %add3A_109 = arith.addf %get3A_107, %scan3A_18 : vector<16xf32>
        %min3A_110 = arith.constant 1.000000e+00 : f32
        %min3A_111 = vector.broadcast %min3A_110 : f32 to vector<16xf32>
        %min3A_112 = arith.minimumf %add3A_109, %min3A_111 : vector<16xf32>
        %jit3A_113 = arith.constant 0.000000e+00 : f32
        %broadcast_in_dim3A_114 = vector.broadcast %jit3A_113 : f32 to vector<16xf32>
        %select_n3A_115 = arith.select %ge3A_108, %min3A_112, %broadcast_in_dim3A_114 : vector<16xi1>, vector<16xf32>
        %mul3A_116 = arith.constant 16 : i32
        %mul3A_117 = arith.muli %scan3A_102, %mul3A_116 : i32
        %swap3A_118 = arith.index_cast %mul3A_117 : i32 to index
        %swap3A_119 = tpu.vector_load %arg5[%swap3A_118] {strides = array<i32>} : memref<4096xf32, #tpu.memory_space<vmem>>, vector<16xf32>,
        %swap3A_120 = vector.shape_cast %swap3A_119 : vector<16xf32> to vector<16xf32>
        %swap3A_121 = vector.shape_cast %select_n3A_115 : vector<16xf32> to vector<16xf32>
        tpu.vector_store %arg5[%swap3A_118], %swap3A_121 {strides = array<i32>} : memref<4096xf32, #tpu.memory_space<vmem>>, vector<16xf32>,
        %scan3A_122 = arith.constant 5 : i32
        %scan3A_123 = arith.addi %scan3A_26, %scan3A_122 : i32
        %mul3A_124 = arith.constant 16 : i32
        %mul3A_125 = arith.muli %scan3A_123, %mul3A_124 : i32
        %get3A_126 = arith.index_cast %mul3A_125 : i32 to index
        %get3A_127 = tpu.vector_load %arg4[%get3A_126] {strides = array<i32>} : memref<4096xf32, #tpu.memory_space<vmem>>, vector<16xf32>,
        %get3A_128 = vector.shape_cast %get3A_127 : vector<16xf32> to vector<16xf32>
        %ge3A_129 = arith.cmpf oge, %get3A_128, %sub3A_13 : vector<16xf32>
        %add3A_130 = arith.addf %get3A_128, %scan3A_18 : vector<16xf32>
        %min3A_131 = arith.constant 1.000000e+00 : f32
        %min3A_132 = vector.broadcast %min3A_131 : f32 to vector<16xf32>
        %min3A_133 = arith.minimumf %add3A_130, %min3A_132 : vector<16xf32>
        %jit3A_134 = arith.constant 0.000000e+00 : f32
        %broadcast_in_dim3A_135 = vector.broadcast %jit3A_134 : f32 to vector<16xf32>
        %select_n3A_136 = arith.select %ge3A_129, %min3A_133, %broadcast_in_dim3A_135 : vector<16xi1>, vector<16xf32>
        %mul3A_137 = arith.constant 16 : i32
        %mul3A_138 = arith.muli %scan3A_123, %mul3A_137 : i32
        %swap3A_139 = arith.index_cast %mul3A_138 : i32 to index
        %swap3A_140 = tpu.vector_load %arg5[%swap3A_139] {strides = array<i32>} : memref<4096xf32, #tpu.memory_space<vmem>>, vector<16xf32>,
        %swap3A_141 = vector.shape_cast %swap3A_140 : vector<16xf32> to vector<16xf32>
        %swap3A_142 = vector.shape_cast %select_n3A_136 : vector<16xf32> to vector<16xf32>
        tpu.vector_store %arg5[%swap3A_139], %swap3A_142 {strides = array<i32>} : memref<4096xf32, #tpu.memory_space<vmem>>, vector<16xf32>,
        %scan3A_143 = arith.constant 6 : i32
        %scan3A_144 = arith.addi %scan3A_26, %scan3A_143 : i32
        %mul3A_145 = arith.constant 16 : i32
        %mul3A_146 = arith.muli %scan3A_144, %mul3A_145 : i32
        %get3A_147 = arith.index_cast %mul3A_146 : i32 to index
        %get3A_148 = tpu.vector_load %arg4[%get3A_147] {strides = array<i32>} : memref<4096xf32, #tpu.memory_space<vmem>>, vector<16xf32>,
        %get3A_149 = vector.shape_cast %get3A_148 : vector<16xf32> to vector<16xf32>
        %ge3A_150 = arith.cmpf oge, %get3A_149, %sub3A_13 : vector<16xf32>
        %add3A_151 = arith.addf %get3A_149, %scan3A_18 : vector<16xf32>
        %min3A_152 = arith.constant 1.000000e+00 : f32
        %min3A_153 = vector.broadcast %min3A_152 : f32 to vector<16xf32>
        %min3A_154 = arith.minimumf %add3A_151, %min3A_153 : vector<16xf32>
        %jit3A_155 = arith.constant 0.000000e+00 : f32
        %broadcast_in_dim3A_156 = vector.broadcast %jit3A_155 : f32 to vector<16xf32>
        %select_n3A_157 = arith.select %ge3A_150, %min3A_154, %broadcast_in_dim3A_156 : vector<16xi1>, vector<16xf32>
        %mul3A_158 = arith.constant 16 : i32
        %mul3A_159 = arith.muli %scan3A_144, %mul3A_158 : i32
        %swap3A_160 = arith.index_cast %mul3A_159 : i32 to index
        %swap3A_161 = tpu.vector_load %arg5[%swap3A_160] {strides = array<i32>} : memref<4096xf32, #tpu.memory_space<vmem>>, vector<16xf32>,
        %swap3A_162 = vector.shape_cast %swap3A_161 : vector<16xf32> to vector<16xf32>
        %swap3A_163 = vector.shape_cast %select_n3A_157 : vector<16xf32> to vector<16xf32>
        tpu.vector_store %arg5[%swap3A_160], %swap3A_163 {strides = array<i32>} : memref<4096xf32, #tpu.memory_space<vmem>>, vector<16xf32>,
        %scan3A_164 = arith.constant 7 : i32
        %scan3A_165 = arith.addi %scan3A_26, %scan3A_164 : i32
        %mul3A_166 = arith.constant 16 : i32
        %mul3A_167 = arith.muli %scan3A_165, %mul3A_166 : i32
        %get3A_168 = arith.index_cast %mul3A_167 : i32 to index
        %get3A_169 = tpu.vector_load %arg4[%get3A_168] {strides = array<i32>} : memref<4096xf32, #tpu.memory_space<vmem>>, vector<16xf32>,
        %get3A_170 = vector.shape_cast %get3A_169 : vector<16xf32> to vector<16xf32>
        %ge3A_171 = arith.cmpf oge, %get3A_170, %sub3A_13 : vector<16xf32>
        %add3A_172 = arith.addf %get3A_170, %scan3A_18 : vector<16xf32>
        %min3A_173 = arith.constant 1.000000e+00 : f32
        %min3A_174 = vector.broadcast %min3A_173 : f32 to vector<16xf32>
        %min3A_175 = arith.minimumf %add3A_172, %min3A_174 : vector<16xf32>
        %jit3A_176 = arith.constant 0.000000e+00 : f32
        %broadcast_in_dim3A_177 = vector.broadcast %jit3A_176 : f32 to vector<16xf32>
        %select_n3A_178 = arith.select %ge3A_171, %min3A_175, %broadcast_in_dim3A_177 : vector<16xi1>, vector<16xf32>
        %mul3A_179 = arith.constant 16 : i32
        %mul3A_180 = arith.muli %scan3A_165, %mul3A_179 : i32
        %swap3A_181 = arith.index_cast %mul3A_180 : i32 to index
        %swap3A_182 = tpu.vector_load %arg5[%swap3A_181] {strides = array<i32>} : memref<4096xf32, #tpu.memory_space<vmem>>, vector<16xf32>,
        %swap3A_183 = vector.shape_cast %swap3A_182 : vector<16xf32> to vector<16xf32>
        %swap3A_184 = vector.shape_cast %select_n3A_178 : vector<16xf32> to vector<16xf32>
        tpu.vector_store %arg5[%swap3A_181], %swap3A_184 {strides = array<i32>} : memref<4096xf32, #tpu.memory_space<vmem>>, vector<16xf32>,
      }
      %scan3A_25 = arith.constant 256 : i32
      "tpu.region"() ({
        %run_scoped3A = tpu.sem_alloc : memref<!tpu.dma_semaphore, #tpu.memory_space<semaphore_mem>>
        tpu.enqueue_dma source(%arg5 : memref<4096xf32, #tpu.memory_space<vmem>>) target(%arg3 : memref<4096xf32, #tpu.memory_space<hbm>>) target_semaphore(%run_scoped3A : memref<!tpu.dma_semaphore, #tpu.memory_space<semaphore_mem>>)
        tpu.wait_dma2 semaphore(%run_scoped3A : memref<!tpu.dma_semaphore, #tpu.memory_space<semaphore_mem>>) src(%arg5 : memref<4096xf32, #tpu.memory_space<vmem>>) dst(%arg3 : memref<4096xf32, #tpu.memory_space<hbm>>)
        tpu.yield
      }) : () -> ()
    } else {
    }
    return
  }
}

</mosaic_0001>

<sc_bundles>
// kernel: kernel.3.cloned.1.call-start
scs
__scs_entry_jumppad:
0x0: {  	(pc) =	sbr.rel $0x88, $3  }
0x1: {  	(tag) =	ssettag $0x0;
	lr =	simm.s32 $0x1  }
0x2: {  	[smem:$0x3FA0] =	sst lr;
	_ =	strace $0xD0000000  }
0x3: {  	_ = 	snop  }
0x4: {  	_ = 	snop  }
0x5: {  	_ = 	snop  }
0x6: {  	_ = 	snop  }
0x7: {  	_ = 	snop  }
__scs_overlays_trampoline_lowered:
0x8: {  	[smem:$0x3FAF] =	sst s0  }
0x9: {  	[smem:$0x3FB0] =	sst s1  }
0xa: {  	[smem:$0x3FB1] =	sst s2  }
0xb: {  	[smem:$0x3FB2] =	sst s3  }
0xc: {  	[smem:$0x3FB3] =	sst s4  }
0xd: {  	[smem:$0x3FB4] =	sst s5  }
0xe: {  	[smem:$0x3FB5] =	sst s6  }
0xf: {  	[smem:$0x3FB6] =	sst s7  }
0x10: {  	[smem:$0x3FB7] =	sst s8  }
0x11: {  	[smem:$0x3FB8] =	sst s9;
	s0 =	simm.s32 @!p0 $0x0  }
0x12: {  	s1 =	sld [smem:$0x3F9E];
	s0 =	simm.s32 @p0 $0x1  }
0x13: {  	[smem:$0x3FB9] =	sst s0;
	s0 =	simm.s32 @!p1 $0x0  }
0x14: {  	s2 =	sld [smem:$0x3F9D];
	s0 =	simm.s32 @p1 $0x1  }
0x15: {  	[smem:$0x3FBA] =	sst s0;
	s0 =	simm.s32 @!p2 $0x0  }
0x16: {  	s3 =	sld [smem:$0x3FDB];
	s0 =	simm.s32 @p2 $0x1  }
0x17: {  	s4 =	simm.s32 $0x1BF5;
	[smem:$0x3FBC] =	sst s0  }
0x18: {  	s0 =	sld [smem:$0x3F9F];
	_ =	swait.ge [sflag:s4], $0x0  }
0x19: {  	s7 =	sld [smem:$0x3FA0]  }
0x1a: {  	s8 =	sadd.s32 $0xFFFFE003, lr  }
0x1b: {  	s9 =	sadd.s32 $0xFFFFFEF7, lr;
	s5 =	simm.s32 $0xFFFFFFFF;
	p2 =	slt.u32 s8, $0xFFFFF086  }
0x1c: {  	p1 =	slt.u32 s9, $0xF7A;
	s5 =	simm.s32 @!p2 $0x0  }
0x1d: {  	s5 =	simm.s32 @p1 $0x1;
	p0 =	seq.s32 s7, s2  }
0x1e: {  	s7 =	smul.u32 @!p0 $0xF7A, s2;
	p2 =	seq.s32 @!p0 s5, $0x0  }
0x1f: {  	s9 =	smul.u32 $0xF7A, s1;
	s8 =	simm.s32 @!p0 $0x1BF5;
	p2 =	por !p2, p0  }
0x20: {  	[sflag:s8] =	ssyncset.s32 @!p0 $0xFFFFF086;
	s6 =	sadd.s32 @!p0 s3, s7;
	s7 =	simm.s32 @!p0 $0x108  }
0x21: {  	s3 =	sadd.s32 s3, s9;
	s6 =	sadd.s32 @!p0 $0x88, s6;
	s7 =	simm.s32 @p2 $0x1082  }
0x22: {  	[simem:s7], [sflag:s8] =	dma.local @!p0 [hbm:s6], $0xF7A  }
0x23: {  	s9 =	sor.u32 $0xD0000000, s2;
	s6 =	simm.s32 $0x108;
	_ =	swait.ge @!p0 [sflag:s8], $0x0  }
0x24: {  	s3 =	sadd.s32 $0x88, s3;
	s6 =	simm.s32 @!p1 $0x1082;
	[sflag:s4] =	ssyncset.s32 $0xFFFFF086  }
0x25: {  	[simem:s6], [sflag:s4] =	dma.local [hbm:s3], $0xF7A  }
0x26: {  	[smem:$0x3FA0] =	sst s1;
	(tag) =	ssettag s2;
	_ =	strace s9  }
0x27: {  	s1 =	sld [smem:$0x3FB0]  }
0x28: {  	s2 =	sld [smem:$0x3FB1]  }
0x29: {  	s4 =	sld [smem:$0x3FB3]  }
0x2a: {  	p0 =	seq.s32 s5, $0x0;
	s5 =	sld [smem:$0x3FB4]  }
0x2b: {  	s6 =	sld [smem:$0x3FB5]  }
0x2c: {  	s7 =	sld [smem:$0x3FB6]  }
0x2d: {  	s3 =	simm.s32 $0x108;
	s8 =	sld [smem:$0x3FB7]  }
0x2e: {  	s3 =	simm.s32 @!p0 $0x1082;
	s9 =	sld [smem:$0x3FB8]  }
0x2f: {  	lr =	sadd.s32 s0, s3;
	s0 =	sld [smem:$0x3FAF]  }
0x30: {  	s3 =	sld [smem:$0x3FB2]  }
0x31: {  	[smem:$0x3FBB] =	sst s10  }
0x32: {  	s10 =	sld [smem:$0x3FB9];
	_ =	sdelay $0x3  }
0x33: {  	p0 =	seq.s32 s10, $0x1;
	s10 =	sld [smem:$0x3FBB];
	_ =	sdelay $0x3  }
0x34: {  	[smem:$0x3FBB] =	sst s10  }
0x35: {  	s10 =	sld [smem:$0x3FBA];
	_ =	sdelay $0x3  }
0x36: {  	p1 =	seq.s32 s10, $0x1;
	s10 =	sld [smem:$0x3FBB];
	_ =	sdelay $0x3  }
0x37: {  	[smem:$0x3FBB] =	sst s10  }
0x38: {  	s10 =	sld [smem:$0x3FBC]  }
0x39: {  	_ = 	snop;
	(pc) =	sbr.ind lr, $3  }
0x3a: {  	_ = 	snop  }
0x3b: {  	_ = 	snop  }
0x3c: {  	p2 =	seq.s32 s10, $0x1;
	s10 =	sld [smem:$0x3FBB]  }
0x3d: {  	_ =	shalt  }
0x3e: {  	_ =	shalt  }
0x3f: {  	_ =	shalt  }
0x40: {  	_ =	shalt  }
0x41: {  	_ =	shalt  }
0x42: {  	_ =	shalt  }
0x43: {  	_ =	shalt  }
0x44: {  	_ =	shalt  }
0x45: {  	_ =	shalt  }
0x46: {  	_ =	shalt  }
0x47: {  	_ =	shalt  }
0x48: {  	_ =	shalt  }
0x49: {  	_ =	shalt  }
0x4a: {  	_ =	shalt  }
0x4b: {  	_ =	shalt  }
0x4c: {  	_ =	shalt  }
0x4d: {  	_ =	shalt  }
0x4e: {  	_ =	shalt  }
0x4f: {  	_ =	shalt  }
0x50: {  	_ =	shalt  }
0x51: {  	_ =	shalt  }
0x52: {  	_ =	shalt  }
0x53: {  	_ =	shalt  }
0x54: {  	_ =	shalt  }
0x55: {  	_ =	shalt  }
0x56: {  	_ =	shalt  }
0x57: {  	_ =	shalt  }
0x58: {  	_ =	shalt  }
0x59: {  	_ =	shalt  }
0x5a: {  	_ =	shalt  }
0x5b: {  	_ =	shalt  }
0x5c: {  	_ =	shalt  }
0x5d: {  	_ =	shalt  }
0x5e: {  	_ =	shalt  }
0x5f: {  	_ =	shalt  }
0x60: {  	_ =	shalt  }
0x61: {  	_ =	shalt  }
0x62: {  	_ =	shalt  }
0x63: {  	_ =	shalt  }
0x64: {  	_ =	shalt  }
0x65: {  	_ =	shalt  }
0x66: {  	_ =	shalt  }
0x67: {  	_ =	shalt  }
0x68: {  	_ =	shalt  }
0x69: {  	_ =	shalt  }
0x6a: {  	_ =	shalt  }
0x6b: {  	_ =	shalt  }
0x6c: {  	_ =	shalt  }
0x6d: {  	_ =	shalt  }
0x6e: {  	_ =	shalt  }
0x6f: {  	_ =	shalt  }
0x70: {  	_ =	shalt  }
0x71: {  	_ =	shalt  }
0x72: {  	_ =	shalt  }
0x73: {  	_ =	shalt  }
0x74: {  	_ =	shalt  }
0x75: {  	_ =	shalt  }
0x76: {  	_ =	shalt  }
0x77: {  	_ =	shalt  }
0x78: {  	_ =	shalt  }
0x79: {  	_ =	shalt  }
0x7a: {  	_ =	shalt  }
0x7b: {  	_ =	shalt  }
0x7c: {  	_ =	shalt  }
0x7d: {  	_ =	shalt  }
0x7e: {  	_ =	shalt  }
0x7f: {  	_ =	shalt  }
0x80: {  	_ =	shalt  }
0x81: {  	_ =	shalt  }
0x82: {  	_ =	shalt  }
0x83: {  	_ =	shalt  }
0x84: {  	_ =	shalt  }
0x85: {  	_ =	shalt  }
0x86: {  	_ =	shalt  }
0x87: {  	_ =	shalt  }
.Lfunc_end0:
.L_simem_size_0:
called_computation_lowered:
.L_overlay_start_0:
0x88: {  	s0 =	sld [smem:$0x3FD9]  }
0x89: {  	s1 =	sld [smem:$0x3FFE];
	_ =	sdelay $0x3  }
0x8a: {  	s0 =	sadd.s32 s1, s0  }
0x8b: {  	[smem:$0x3FC7] =	sst s0  }
0x8c: {  	_ = 	snop  }
0x8d: {  	s0 =	sld [smem:$0x3FC9]  }
0x8e: {  	s17 =	sld [smem:$0x3FD0];
	(tm) =	ssettm $0x1  }
0x8f: {  	s2 =	sld [smem:$0x3FFB];
	_ =	sdelay $0x3  }
0x90: {  	_ =	strace s2  }
0x91: {  	s2 =	sld [smem:$0x3FFC];
	_ =	sdelay $0x3  }
0x92: {  	_ =	strace s2  }
0x93: {  	s2 =	sld [smem:$0x3FFD];
	_ =	sdelay $0x3  }
0x94: {  	_ =	strace s2  }
0x95: {  	_ =	strace $0x8FFFFFFF  }
0x96: {  	s18 =	sld [smem:$0x3FDB];
	_ =	sdelay $0x1  }
0x97: {  	s3 =	simm.s32 $_scs_section_size  }
0x98: {  	s4 =	simm.s32 $_size__tile_overlayer_lowered;
	s5 =	simm.s32 $_tile_overlayer_lowered  }
0x99: {  	s21 =	simm.s32 $0x1BFF;
	s20 =	sshll.u32 s5, $0x1;
	s2 =	sadd.s32 s3, s18  }
0x9a: {  	s6 =	simm.s32 $0x0;
	s19 =	sshll.u32 s4, $0x1;
	s4 =	sadd.s32 s20, s2  }
0x9b: {  	[timem:s6], [sflag:s21] =	dma.local [hbm:s4], s19  }
0x9c: {  	_ =	swait.ge [sflag:s21], s19  }
0x9d: {  	s3 =	ssub.s32 $0x0, s19;
	[sflag:s21] =	ssyncset.done $0x0  }
0x9e: {  	[sflag:s21] =	ssyncadd.s32 s3;
	_ =	sdelay $0x1  }
0x9f: {  	s22 =	simm.s32 $0x1B8B  }
0xa0: {  	_ =	swait.ge [sflag:s22], $0x1  }
0xa1: {  	[sflag:s22] =	ssyncset.done $0x0  }
0xa2: {  	s23 =	simm.s32 $0x1B8E;
	[sflag:s22] =	ssyncadd.s32 $0xFFFFFFFF  }
0xa3: {  	s24 =	simm.s32 $execute0_lowered;
	[smem:$0x3FD2] =	sst s23  }
0xa4: {  	s3 =	sshll.u32 s24, $0x1;
	_ =	strace $0x80000046;
	[dreg:$0x1] =	wrdreg $0xFFFFFFFF  }
0xa5: {  	s25 =	simm.s32 $_size_execute0_lowered;
	s2 =	sadd.s32 s2, s3;
	[dreg:$0x0] =	wrdreg $0x0  }
0xa6: {  	s3 =	sshll.u32 s25, $0x1;
	[dreg:$0x2] =	wrdreg s2  }
0xa7: {  	[dreg:$0x3] =	wrdreg s3  }
0xa8: {  	[dreg:$0x4] =	wrdreg $0xC0  }
0xa9: {  	_ =	task [dreg:s6], $0x5FFFF  }
0xaa: {  	[dreg:$0x1] =	wrdreg $0xFFFFFFFF  }
0xab: {  	[dreg:$0x0] =	wrdreg $0x60  }
0xac: {  	[dreg:$0x2] =	wrdreg s0  }
0xad: {  	[dreg:$0x3] =	wrdreg s17  }
0xae: {  	[dreg:$0x4] =	wrdreg $0x9  }
0xaf: {  	_ =	task.clear_ibuf [dreg:s6], $0x5FFFF;
	_ =	strace $0x90000046  }
0xb0: {  	s26 =	simm.s32 $0x9;
	_ =	strace $0x80000048  }
0xb1: {  	_ =	swait.ge [sflag:s26], $0x1  }
0xb2: {  	[sflag:s26] =	ssyncadd.s32 $0xFFFFFFFF  }
0xb3: {  	_ =	strace $0x90000048  }
0xb4: {  	_ =	sfence  }
0xb5: {  	s28 =	sld [smem:$0x0];
	_ =	sdelay $0x1  }
0xb6: {  	s29 =	srdreg.scid  }
0xb7: {  	s30 =	sshll.u32 s29, $0xD;
	s31 =	sshrl.u32 s29, $0x2  }
0xb8: {  	s1 =	sand.u32 $0x1, s29;
	s2 =	sand.u32 $0x4000, s30;
	s0 =	sadd.s32 s31, s28  }
0xb9: {  	s1 =	sor.u32 s2, s1;
	s0 =	sshll.u32 s0, $0x11  }
0xba: {  	s0 =	sor.u32 s0, s1  }
0xbb: {  	s0 =	sadd.s32 $0x8F2B, s0  }
0xbc: {  	[sflag:s0] =	ssyncadd.remote.s32 $0x1  }
0xbd: {  	_ =	sfence.sel $0xFFFF  }
0xbe: {  	[dreg:$0x0] =	wrdreg $0xFFFFFFFF;
	(pc) =	sbr.abs _section_cstart, $3  }
0xbf: {  	[dreg:$0x1] =	wrdreg $0xFFFFFFFF  }
0xc0: {  	_ =	task.clear_ibuf [dreg:s6], $0x2FFFF;
	_ =	strace $0x9FFFFFFF  }
0xc1: {  	(tm) =	ssettm $0x7FFFFFFF  }
tec
execute0_lowered:
.L_overlay_start_1:
0x0: {  	(tag) =	ssettag $0x1  }
0x1: {  	s2 =	stileid.u32  }
0x2: {  	p0 =	sne.s32 s2, $0x0  }
.Ltmp0:
0x3: {  	_ = 	snop;
	(pc) =	sbr.rel @p0 .LBB2_12-.Ltmp0, $4  }
0x4: {  	_ = 	snop  }
0x5: {  	s3 =	rddreg [dreg:$0x0]  }
0x6: {  	s1 =	rddreg [dreg:$0x1]  }
0x7: {  	s0 =	rddreg [dreg:$0x2];
	_ =	strace $0x80000047  }
0x8: {  	v0 =	vimm.s32 $0xEFCDAB89  }
0x9: {  	v1 =	vimm.s32 $0x67452301;
	v2 =	vimm.s32 $0xDCFE98BA;
	v3 =	vimm.s32 $0x54761032  }
0xa: {  	v4 =	vimm.s32 $0xBA98FEDC;
	v5 =	vimm.s32 $0x32107654;
	v6 =	vimm.s32 $0xFEDCBA98  }
0xb: {  	v7 =	vimm.s32 $0x76543210;
	v0 =	vunpack.c.l.s4.s8 v0;
	v1 =	vunpack.c.l.s4.s8 v1  }
0xc: {  	v2 =	vunpack.c.l.s4.s8 v2;
	v3 =	vunpack.c.l.s4.s8 v3;
	v4 =	vunpack.c.l.s4.s8 v4  }
0xd: {  	v5 =	vunpack.c.l.s4.s8 v5;
	v6 =	vunpack.c.l.s4.s8 v6;
	v7 =	vunpack.c.l.s4.s8 v7  }
0xe: {  	v0 =	vunpack.c.0.s8.s32 v0;
	v1 =	vunpack.c.0.s8.s32 v1;
	v2 =	vunpack.c.0.s8.s32 v2  }
0xf: {  	s2 =	simm.s32 $0x0;
	s31 =	simm.s32 $0x1;
	v3 =	vunpack.c.0.s8.s32 v3;
	v4 =	vunpack.c.0.s8.s32 v4;
	v5 =	vunpack.c.0.s8.s32 v5  }
0x10: {  	[tilespmem:s2], [sflag:$0x1] =	stream.linear.gather [hbm4b:s3+s2], $0x1000, $0x38;
	v6 =	vunpack.c.0.s8.s32 v6;
	v7 =	vunpack.c.0.s8.s32 v7;
	v1 =	vcombine.low v1, v0;
	[tilespmem:$0x2000] =	vst v63  }
0x11: {  	_ =	swait.ge [sflag:s31], $0x1000;
	v8 =	vcombine.low v3, v2;
	v2 =	vimm.f32 $1.000000020e+30;
	v5 =	vcombine.low v5, v4  }
0x12: {  	[sflag:s31] =	ssyncset.done $0x0;
	v0 =	vimm.f32 $0.0e+00;
	v3 =	vand.u32 $0xF, v1;
	v1 =	vand.u32 $0xF, v6  }
0x13: {  	[sflag:s31] =	ssyncadd.s32 $0xFFFFF000;
	v4 =	vand.u32 $0xF, v8;
	v5 =	vand.u32 $0xF, v5;
	v6 =	vcombine.low v1, v7  }
.LBB2_2:
0x14: {  	s4 =	simm.s32 $0x0  }
0x15: {  	v1 =	vld [tilespmem:s4+$0x70]  }
0x16: {  	v7 =	vld [tilespmem:s4+$0x60]  }
0x17: {  	v9 =	vld [tilespmem:s4+$0x20]  }
0x18: {  	v11 =	vld [tilespmem:s4+$0x0]  }
0x19: {  	v10 =	vsub.f32 $0.0e+00, v2;
	v23 =	vimm.f32 $0.0e+00;
	v20 =	vimm.f32 $0.0e+00;
	v12 =	vld [tilespmem:s4+$0x40]  }
0x1a: {  	v18 =	vimm.f32 $0.0e+00;
	v21 =	vimm.f32 $0.0e+00;
	v13 =	vimm.f32 $0.0e+00;
	v8 =	vld [tilespmem:s4+$0x10]  }
0x1b: {  	v22 =	vimm.f32 $0.0e+00;
	v19 =	vimm.f32 $0.0e+00;
	v17 =	vimm.f32 $0.0e+00  }
0x1c: {  	v24 =	vimm.f32 $0.0e+00;
	v15 =	vimm.f32 $0.0e+00;
	vm0 =	vge.f32 v7, v10  }
0x1d: {  	vm3 =	vge.f32 v1, v10;
	vm2 =	vge.f32 v11, v10;
	vm1 =	vge.f32 v9, v10  }
0x1e: {  	vm4 =	vge.f32 v12, v10;
	v7 =	vnsel vm0, $0x0, v7;
	v2 =	vnsel vm2, $0x0, v11  }
0x1f: {  	v16 =	vld [tilespmem:s4+$0x50];
	v11 =	vsel vm0, $0x3F800000, v0;
	v1 =	vnsel vm3, $0x0, v1;
	vm0 =	vge.f32 v8, v10  }
0x20: {  	v25 =	vld [tilespmem:s4+$0x30];
	v26 =	vnsel vm4, $0x0, v12;
	v28 =	vsel vm3, $0x3F800000, v0;
	v27 =	vsel vm4, $0x3F800000, v0  }
0x21: {  	v12 =	vimm.f32 $0.0e+00;
	v1 =	vadd.f32 v1, v0;
	v2 =	vadd.f32 v2, v0  }
0x22: {  	s3 =	simm.s32 $0x200;
	v7 =	vadd.f32 v7, v0;
	v14 =	vadd.f32 v11, v0;
	v11 =	vimm.f32 $0.0e+00  }
.LBB2_3:
0x23: {  	s4 =	sshra.s32 s3, $0x2;
	p1 =	sne.s32 s3, $0x3E00;
	s3 =	sadd.s32 $0x200, s3;
	v29 =	vsel vm2, $0x3F800000, v0;
	v30 =	vnsel vm1, $0x0, v9;
	v11 =	vadd.f32 v26, v11  }
0x24: {  	v20 =	vadd.f32 v28, v20;
	v26 =	vld [tilespmem:s4+$0x70];
	v23 =	vadd.f32 v29, v23;
	v29 =	vsel vm1, $0x3F800000, v0  }
0x25: {  	v18 =	vadd.f32 v27, v18;
	vm2 =	vge.f32 v16, v10;
	v28 =	vld [tilespmem:s4+$0x60];
	vm1 =	vge.f32 v25, v10  }
0x26: {  	v12 =	vadd.f32 v30, v12;
	v21 =	vadd.f32 v29, v21;
	v9 =	vld [tilespmem:s4+$0x20];
	v25 =	vnsel vm1, $0x0, v25  }
0x27: {  	v30 =	vsel vm0, $0x3F800000, v0;
	v29 =	vnsel vm0, $0x0, v8;
	v31 =	vsel vm1, $0x3F800000, v0;
	v27 =	vld [tilespmem:s4+$0x0]  }
0x28: {  	v13 =	vadd.f32 v25, v13;
	v25 =	vnsel vm2, $0x0, v16;
	v16 =	vsel vm2, $0x3F800000, v0;
	v32 =	vld [tilespmem:s4+$0x40]  }
0x29: {  	v22 =	vadd.f32 v30, v22;
	v19 =	vadd.f32 v16, v19;
	v8 =	vld [tilespmem:s4+$0x10]  }
0x2a: {  	v17 =	vadd.f32 v29, v17;
	v24 =	vadd.f32 v31, v24;
	v16 =	vld [tilespmem:s4+$0x50]  }
0x2b: {  	v15 =	vadd.f32 v25, v15;
	vm3 =	vge.f32 v26, v10;
	vm0 =	vge.f32 v28, v10  }
.Ltmp1:
0x2c: {  	vm1 =	vge.f32 v9, v10;
	v29 =	vnsel vm0, $0x0, v28;
	vm2 =	vge.f32 v27, v10;
	(pc) =	sbr.rel @p1 .LBB2_3-.Ltmp1, $4  }
0x2d: {  	v26 =	vnsel vm3, $0x0, v26;
	v30 =	vsel vm0, $0x3F800000, v0;
	v27 =	vnsel vm2, $0x0, v27  }
0x2e: {  	v1 =	vadd.f32 v26, v1;
	vm4 =	vge.f32 v32, v10;
	vm0 =	vge.f32 v8, v10;
	v25 =	vld [tilespmem:s4+$0x30]  }
0x2f: {  	v28 =	vsel vm3, $0x3F800000, v0;
	v2 =	vadd.f32 v27, v2;
	v26 =	vnsel vm4, $0x0, v32  }
0x30: {  	v7 =	vadd.f32 v29, v7;
	v14 =	vadd.f32 v30, v14;
	v27 =	vsel vm4, $0x3F800000, v0  }
0x31: {  	v29 =	vsel vm2, $0x3F800000, v0;
	v54 =	vsel vm1, $0x3F800000, v0;
	v20 =	vadd.f32 v28, v20  }
0x32: {  	vm3 =	vge.f32 v16, v10;
	v56 =	vsel vm0, $0x3F800000, v0;
	v18 =	vadd.f32 v27, v18  }
0x33: {  	v23 =	vadd.f32 v29, v23;
	v55 =	vadd.f32 v54, v21;
	vm15 =	vge.f32 v25, v10  }
0x34: {  	v21 =	vadd.f32 v56, v22;
	v59 =	vsel vm3, $0x3F800000, v0;
	v57 =	vsel vm15, $0x3F800000, v0  }
0x35: {  	v19 =	vadd.f32 v59, v19;
	v58 =	vadd.f32 v57, v24  }
0x36: {  	v14 =	vadd.f32 v20, v14;
	v21 =	vadd.f32 v21, v23  }
0x37: {  	v18 =	vadd.f32 v19, v18;
	v10 =	vadd.f32 v58, v55;
	_ =	sdelay $0x1  }
0x38: {  	v14 =	vadd.f32 v14, v18;
	v10 =	vadd.f32 v10, v21  }
0x39: {  	v9 =	vnsel vm1, $0x0, v9  }
0x3a: {  	v11 =	vadd.f32 v26, v11;
	v8 =	vnsel vm0, $0x0, v8;
	v10 =	vadd.f32 v14, v10  }
0x3b: {  	v9 =	vadd.f32 v9, v12;
	v8 =	vadd.f32 v8, v17;
	v61 =	vnsel vm3, $0x0, v16  }
0x3c: {  	v1 =	vadd.f32 v1, v7;
	v60 =	vnsel vm15, $0x0, v25;
	v14 =	vperm.xlane v10, v3  }
0x3d: {  	v12 =	vadd.f32 v60, v13;
	v13 =	vadd.f32 v61, v15  }
0x3e: {  	v2 =	vadd.f32 v8, v2;
	v62 =	vadd.f32 v14, v10  }
0x3f: {  	v8 =	vadd.f32 v12, v9;
	v63 =	vadd.f32 v13, v11  }
0x40: {  	v7 =	vperm.xlane v62, v4  }
0x41: {  	v2 =	vadd.f32 v8, v2;
	v1 =	vadd.f32 v1, v63  }
0x42: {  	v7 =	vadd.f32 v7, v62  }
0x43: {  	v1 =	vadd.f32 v1, v2  }
0x44: {  	v2 =	vperm.xlane v7, v5  }
0x45: {  	v8 =	vperm.xlane v1, v3  }
0x46: {  	v2 =	vadd.f32 v2, v7  }
0x47: {  	v7 =	vadd.f32 v8, v1  }
0x48: {  	v1 =	vperm.xlane v2, v6  }
0x49: {  	v8 =	vperm.xlane v7, v4  }
0x4a: {  	v1 =	vadd.f32 v1, v2  }
0x4b: {  	v2 =	vadd.f32 v8, v7  }
0x4c: {  	v7 =	vmax.f32 v1, $1.000000000e+00  }
0x4d: {  	v8 =	vperm.xlane v2, v5;
	(erf) = vrcp.f32 v7;
	_ =	sdelay $0x1  }
0x4e: {  	v2 =	vadd.f32 v8, v2;
	_ =	sdelay $0x1  }
0x4f: {  	s2 =	sadd.s32 $0x1, s2;
	v7 =	vperm.xlane v2, v6  }
0x50: {  	p1 =	sne.s32 s2, $0x7  }
.Ltmp2:
0x51: {  	v2 =	vadd.f32 v7, v2;
	(pc) =	sbr.rel @p1 .LBB2_2-.Ltmp2, $4  }
0x52: {  	_ = 	snop  }
0x53: {  	v2 =	vsub.f32 $2.048000000e+03, v2  }
0x54: {  	v7 =	vpop (erf)  }
0x55: {  	v2 =	vmul.f32 v7, v2  }
0x56: {  	v0 =	vimm.s32 $0xEFCDAB89  }
0x57: {  	v3 =	vimm.s32 $0x67452301;
	v4 =	vimm.s32 $0xDCFE98BA;
	v5 =	vimm.s32 $0x54761032  }
0x58: {  	v6 =	vimm.s32 $0xBA98FEDC;
	v7 =	vimm.s32 $0x32107654;
	v8 =	vimm.s32 $0xFEDCBA98  }
0x59: {  	v9 =	vimm.s32 $0x76543210;
	v0 =	vunpack.c.l.s4.s8 v0;
	v3 =	vunpack.c.l.s4.s8 v3  }
0x5a: {  	v4 =	vunpack.c.l.s4.s8 v4;
	v5 =	vunpack.c.l.s4.s8 v5;
	v6 =	vunpack.c.l.s4.s8 v6  }
0x5b: {  	v7 =	vunpack.c.l.s4.s8 v7;
	v8 =	vunpack.c.l.s4.s8 v8;
	v0 =	vunpack.c.0.s8.s32 v0  }
0x5c: {  	v3 =	vunpack.c.0.s8.s32 v3;
	v4 =	vunpack.c.0.s8.s32 v4;
	v5 =	vunpack.c.0.s8.s32 v5  }
0x5d: {  	v9 =	vunpack.c.l.s4.s8 v9;
	v6 =	vunpack.c.0.s8.s32 v6;
	v7 =	vunpack.c.0.s8.s32 v7  }
0x5e: {  	v8 =	vunpack.c.0.s8.s32 v8;
	v10 =	vcombine.low v3, v0;
	v5 =	vcombine.low v5, v4  }
0x5f: {  	v0 =	vsub.f32 $0.0e+00, v2;
	v6 =	vcombine.low v7, v6;
	v7 =	vunpack.c.0.s8.s32 v9  }
0x60: {  	v3 =	vimm.f32 $1.000000000e+00;
	v8 =	vand.u32 $0xF, v8;
	v4 =	vand.u32 $0xF, v10  }
0x61: {  	s2 =	simm.s32 $0x0;
	v5 =	vand.u32 $0xF, v5;
	v6 =	vand.u32 $0xF, v6;
	v7 =	vcombine.low v8, v7  }
.LBB2_6:
0x62: {  	s3 =	simm.s32 $0x0  }
0x63: {  	v8 =	vld [tilespmem:s3+$0x70]  }
0x64: {  	v10 =	vld [tilespmem:s3+$0x60]  }
0x65: {  	v17 =	vld [tilespmem:s3+$0x20]  }
0x66: {  	v9 =	vld [tilespmem:s3+$0x40]  }
0x67: {  	v12 =	vsub.f32 $1.000000000e+00, v2;
	v2 =	vld [tilespmem:s3+$0x0]  }
0x68: {  	v11 =	vimm.f32 $0.0e+00;
	v21 =	vimm.f32 $0.0e+00;
	v24 =	vimm.f32 $0.0e+00;
	v18 =	vld [tilespmem:s3+$0x10]  }
0x69: {  	v25 =	vimm.f32 $0.0e+00;
	v26 =	vimm.f32 $0.0e+00;
	v27 =	vimm.f32 $0.0e+00  }
0x6a: {  	v22 =	vimm.f32 $0.0e+00;
	v23 =	vimm.f32 $0.0e+00;
	vm1 =	vgt.f32 v10, v12  }
0x6b: {  	vm2 =	vgt.f32 v8, v12;
	vm3 =	vge.f32 v17, v0;
	vm0 =	vge.f32 v10, v0  }
0x6c: {  	v13 =	vld [tilespmem:s3+$0x50];
	vm4 =	vge.f32 v8, v0;
	vm5 =	vgt.f32 v17, v12;
	vm6 =	vgt.f32 v9, v12  }
0x6d: {  	vm8 =	vge.f32 v18, v0;
	vm7 =	vmneg vm0;
	vm0 =	vgt.f32 v2, v12  }
0x6e: {  	v14 =	vld [tilespmem:s3+$0x30];
	vm4 =	vmneg vm4;
	vm3 =	vmneg vm3;
	vm8 =	vmneg vm8  }
0x6f: {  	vm1 =	vmor vm1, vm7;
	vm7 =	vgt.f32 v18, v12;
	vm3 =	vmor vm5, vm3  }
0x70: {  	vm5 =	vge.f32 v9, v0;
	v15 =	vsel vm1, $0x0, v3;
	vm1 =	vmor vm2, vm4  }
0x71: {  	vm4 =	vge.f32 v13, v0;
	vm2 =	vge.f32 v2, v0;
	vm5 =	vmneg vm5  }
0x72: {  	vm7 =	vmor vm7, vm8;
	v10 =	vmul.f32 v15, v10;
	v16 =	vsel vm1, $0x0, v3  }
0x73: {  	v15 =	vadd.f32 v15, v11;
	vm1 =	vgt.f32 v14, v12;
	vm4 =	vmneg vm4  }
0x74: {  	vm5 =	vmor vm6, vm5;
	v30 =	vsel vm7, $0x0, v3;
	v19 =	vmul.f32 v16, v8  }
0x75: {  	vm6 =	vgt.f32 v13, v12;
	v16 =	vadd.f32 v16, v11;
	v29 =	vmul.f32 v30, v18  }
0x76: {  	v8 =	vadd.f32 v10, v11;
	v10 =	vadd.f32 v19, v11;
	v19 =	vsel vm3, $0x0, v3  }
0x77: {  	v28 =	vsel vm5, $0x0, v3;
	vm4 =	vmor vm6, vm4;
	v17 =	vmul.f32 v19, v17  }
0x78: {  	v18 =	vimm.f32 $0.0e+00;
	vm3 =	vge.f32 v14, v0;
	v20 =	vadd.f32 v19, v11  }
0x79: {  	s3 =	simm.s32 $0x200;
	vm3 =	vmneg vm3;
	v19 =	vimm.f32 $0.0e+00;
	v17 =	vadd.f32 v17, v11  }
.LBB2_7:
0x7a: {  	s4 =	sshra.s32 s3, $0x2;
	p1 =	sne.s32 s3, $0x3E00;
	s3 =	sadd.s32 $0x200, s3;
	v11 =	vadd.f32 v30, v11;
	v9 =	vmul.f32 v28, v9;
	v30 =	vsel vm4, $0x0, v3  }
0x7b: {  	vm2 =	vmneg vm2;
	vm1 =	vmor vm1, vm3;
	v31 =	vld [tilespmem:s4+$0x70];
	v13 =	vmul.f32 v30, v13  }
0x7c: {  	vm0 =	vmor vm0, vm2;
	v21 =	vadd.f32 v29, v21;
	v32 =	vld [tilespmem:s4+$0x60];
	v19 =	vadd.f32 v9, v19  }
0x7d: {  	v34 =	vsel vm1, $0x0, v3;
	v33 =	vsel vm0, $0x0, v3;
	v29 =	vld [tilespmem:s4+$0x20];
	v18 =	vadd.f32 v13, v18  }
0x7e: {  	v24 =	vadd.f32 v28, v24;
	v25 =	vadd.f32 v30, v25;
	v13 =	vmul.f32 v34, v14;
	v9 =	vld [tilespmem:s4+$0x40]  }
0x7f: {  	v27 =	vadd.f32 v34, v27;
	v14 =	vmul.f32 v33, v2;
	v26 =	vadd.f32 v33, v26;
	v2 =	vld [tilespmem:s4+$0x0]  }
0x80: {  	v22 =	vadd.f32 v13, v22;
	v28 =	vld [tilespmem:s4+$0x10]  }
0x81: {  	v23 =	vadd.f32 v14, v23;
	vm2 =	vgt.f32 v31, v12;
	v13 =	vld [tilespmem:s4+$0x50];
	vm1 =	vgt.f32 v32, v12  }
0x82: {  	vm5 =	vge.f32 v31, v0;
	vm0 =	vge.f32 v32, v0;
	vm3 =	vge.f32 v29, v0;
	v14 =	vld [tilespmem:s4+$0x30]  }
0x83: {  	vm6 =	vgt.f32 v29, v12;
	vm7 =	vmneg vm0;
	vm4 =	vgt.f32 v9, v12  }
0x84: {  	vm5 =	vmneg vm5;
	vm1 =	vmor vm1, vm7;
	vm0 =	vgt.f32 v2, v12  }
0x85: {  	v30 =	vsel vm1, $0x0, v3;
	vm1 =	vmor vm2, vm5;
	vm7 =	vgt.f32 v28, v12  }
0x86: {  	v32 =	vmul.f32 v30, v32;
	v33 =	vsel vm1, $0x0, v3;
	vm5 =	vge.f32 v13, v0  }
0x87: {  	v15 =	vadd.f32 v30, v15;
	v30 =	vmul.f32 v33, v31;
	v16 =	vadd.f32 v33, v16  }
0x88: {  	vm8 =	vge.f32 v28, v0;
	vm1 =	vgt.f32 v14, v12;
	v8 =	vadd.f32 v32, v8  }
0x89: {  	vm3 =	vmneg vm3;
	vm2 =	vge.f32 v2, v0;
	v10 =	vadd.f32 v30, v10  }
0x8a: {  	vm3 =	vmor vm6, vm3;
	vm6 =	vge.f32 v9, v0;
	vm5 =	vmneg vm5  }
.Ltmp3:
0x8b: {  	vm6 =	vmneg vm6;
	vm8 =	vmneg vm8;
	v30 =	vsel vm3, $0x0, v3;
	(pc) =	sbr.rel @p1 .LBB2_7-.Ltmp3, $4  }
0x8c: {  	vm3 =	vge.f32 v14, v0;
	v29 =	vmul.f32 v30, v29;
	v20 =	vadd.f32 v30, v20  }
0x8d: {  	vm4 =	vmor vm4, vm6;
	vm7 =	vmor vm7, vm8;
	vm3 =	vmneg vm3  }
0x8e: {  	vm6 =	vgt.f32 v13, v12;
	v30 =	vsel vm7, $0x0, v3;
	v17 =	vadd.f32 v29, v17  }
0x8f: {  	v29 =	vmul.f32 v30, v28;
	v28 =	vsel vm4, $0x0, v3;
	vm4 =	vmor vm6, vm5  }
0x90: {  	vm2 =	vmneg vm2;
	vm1 =	vmor vm1, vm3;
	v11 =	vadd.f32 v30, v11  }
0x91: {  	v31 =	vsel vm4, $0x0, v3;
	v24 =	vadd.f32 v28, v24;
	vm0 =	vmor vm0, vm2  }
0x92: {  	v57 =	vsel vm1, $0x0, v3;
	v25 =	vadd.f32 v31, v25;
	v12 =	vsel vm0, $0x0, v3  }
0x93: {  	v27 =	vadd.f32 v57, v27;
	v26 =	vadd.f32 v12, v26  }
0x94: {  	v15 =	vadd.f32 v16, v15;
	v24 =	vadd.f32 v25, v24  }
0x95: {  	v20 =	vadd.f32 v27, v20;
	v11 =	vadd.f32 v11, v26;
	_ =	sdelay $0x1  }
0x96: {  	v15 =	vadd.f32 v15, v24;
	v11 =	vadd.f32 v20, v11  }
0x97: {  	v9 =	vmul.f32 v28, v9  }
0x98: {  	v8 =	vadd.f32 v10, v8;
	v13 =	vmul.f32 v31, v13;
	v11 =	vadd.f32 v15, v11  }
0x99: {  	v59 =	vadd.f32 v29, v21;
	v58 =	vmul.f32 v57, v14;
	v2 =	vmul.f32 v12, v2  }
0x9a: {  	v9 =	vadd.f32 v9, v19;
	v13 =	vadd.f32 v13, v18;
	v15 =	vperm.xlane v11, v4  }
0x9b: {  	v12 =	vadd.f32 v58, v22;
	v2 =	vadd.f32 v2, v23  }
0x9c: {  	v9 =	vadd.f32 v13, v9;
	v11 =	vadd.f32 v15, v11  }
0x9d: {  	v12 =	vadd.f32 v12, v17;
	v2 =	vadd.f32 v59, v2  }
0x9e: {  	v60 =	vperm.xlane v11, v5  }
0x9f: {  	v8 =	vadd.f32 v8, v9;
	v2 =	vadd.f32 v12, v2  }
0xa0: {  	v61 =	vadd.f32 v60, v11  }
0xa1: {  	v2 =	vadd.f32 v8, v2  }
0xa2: {  	v8 =	vperm.xlane v61, v6  }
0xa3: {  	v62 =	vperm.xlane v2, v4  }
0xa4: {  	v8 =	vadd.f32 v8, v61  }
0xa5: {  	v2 =	vadd.f32 v62, v2  }
0xa6: {  	v9 =	vperm.xlane v8, v7  }
0xa7: {  	v10 =	vperm.xlane v2, v5  }
0xa8: {  	v8 =	vadd.f32 v9, v8  }
0xa9: {  	v2 =	vadd.f32 v10, v2  }
0xaa: {  	v9 =	vmax.f32 v8, $1.000000000e+00  }
0xab: {  	v10 =	vperm.xlane v2, v6;
	(erf) = vrcp.f32 v9;
	_ =	sdelay $0x1  }
0xac: {  	v2 =	vadd.f32 v10, v2  }
0xad: {  	v8 =	vsub.f32 v8, v1  }
0xae: {  	s2 =	sadd.s32 $0x1, s2;
	v63 =	vperm.xlane v2, v7  }
0xaf: {  	p1 =	sne.s32 s2, $0x7;
	v8 =	vadd.f32 $2.048000000e+03, v8  }
.Ltmp4:
0xb0: {  	v2 =	vadd.f32 v63, v2;
	(pc) =	sbr.rel @p1 .LBB2_6-.Ltmp4, $4  }
0xb1: {  	_ = 	snop  }
0xb2: {  	v2 =	vsub.f32 v8, v2  }
0xb3: {  	v8 =	vpop (erf)  }
0xb4: {  	v2 =	vmul.f32 v2, v8  }
0xb5: {  	s3 =	simm.s32 $0x40  }
0xb6: {  	v1 =	vld [tilespmem:s3+$0xFFFFFFC0];
	_ =	sdelay $0x4  }
0xb7: {  	v3 =	vadd.f32 v1, v2;
	_ =	sdelay $0x1  }
0xb8: {  	vm0 =	vge.f32 v1, v0;
	v1 =	vmin.f32 v3, $1.000000000e+00  }
0xb9: {  	s2 =	simm.s32 $0x1040;
	v1 =	vnsel vm0, $0x0, v1  }
0xba: {  	[tilespmem:s2+$0xFFFFFFC0] =	vst v1  }
0xbb: {  	v1 =	vld [tilespmem:s3+$0xFFFFFFD0];
	_ =	sdelay $0x4  }
0xbc: {  	v3 =	vadd.f32 v1, v2;
	_ =	sdelay $0x1  }
0xbd: {  	vm9 =	vge.f32 v1, v0;
	v1 =	vmin.f32 v3, $1.000000000e+00  }
0xbe: {  	v1 =	vnsel vm9, $0x0, v1  }
0xbf: {  	[tilespmem:s2+$0xFFFFFFD0] =	vst v1  }
0xc0: {  	v1 =	vld [tilespmem:s3+$0xFFFFFFE0];
	_ =	sdelay $0x4  }
0xc1: {  	v3 =	vadd.f32 v1, v2;
	_ =	sdelay $0x1  }
0xc2: {  	vm10 =	vge.f32 v1, v0;
	v1 =	vmin.f32 v3, $1.000000000e+00  }
0xc3: {  	v1 =	vnsel vm10, $0x0, v1  }
0xc4: {  	[tilespmem:s2+$0xFFFFFFE0] =	vst v1  }
0xc5: {  	v1 =	vld [tilespmem:s3+$0xFFFFFFF0];
	_ =	sdelay $0x4  }
0xc6: {  	v3 =	vadd.f32 v1, v2;
	_ =	sdelay $0x1  }
0xc7: {  	vm11 =	vge.f32 v1, v0;
	v1 =	vmin.f32 v3, $1.000000000e+00  }
0xc8: {  	v1 =	vnsel vm11, $0x0, v1  }
0xc9: {  	[tilespmem:s2+$0xFFFFFFF0] =	vst v1  }
0xca: {  	v1 =	vld [tilespmem:s3+$0x0];
	_ =	sdelay $0x4  }
0xcb: {  	v3 =	vadd.f32 v1, v2;
	_ =	sdelay $0x1  }
0xcc: {  	vm12 =	vge.f32 v1, v0;
	v1 =	vmin.f32 v3, $1.000000000e+00  }
0xcd: {  	v1 =	vnsel vm12, $0x0, v1  }
0xce: {  	[tilespmem:s2+$0x0] =	vst v1  }
0xcf: {  	v1 =	vld [tilespmem:s3+$0x10];
	_ =	sdelay $0x4  }
0xd0: {  	v3 =	vadd.f32 v1, v2;
	_ =	sdelay $0x1  }
0xd1: {  	vm13 =	vge.f32 v1, v0;
	v1 =	vmin.f32 v3, $1.000000000e+00  }
0xd2: {  	v1 =	vnsel vm13, $0x0, v1  }
0xd3: {  	[tilespmem:s2+$0x10] =	vst v1  }
0xd4: {  	v1 =	vld [tilespmem:s3+$0x20];
	_ =	sdelay $0x4  }
0xd5: {  	v3 =	vadd.f32 v1, v2;
	_ =	sdelay $0x1  }
0xd6: {  	vm14 =	vge.f32 v1, v0;
	v1 =	vmin.f32 v3, $1.000000000e+00  }
0xd7: {  	v1 =	vnsel vm14, $0x0, v1  }
0xd8: {  	[tilespmem:s2+$0x20] =	vst v1  }
0xd9: {  	v1 =	vld [tilespmem:s3+$0x30];
	_ =	sdelay $0x4  }
0xda: {  	v3 =	vadd.f32 v1, v2;
	_ =	sdelay $0x1  }
0xdb: {  	vm15 =	vge.f32 v1, v0;
	v1 =	vmin.f32 v3, $1.000000000e+00  }
0xdc: {  	v1 =	vnsel vm15, $0x0, v1  }
0xdd: {  	s4 =	simm.s32 $0xC0;
	s3 =	simm.s32 $0x0;
	[tilespmem:s2+$0x30] =	vst v1  }
.LBB2_10:
0xde: {  	v1 =	vld [tilespmem:s4+$0xFFFFFFC0];
	s3 =	sadd.s32 $0x8, s3  }
0xdf: {  	p1 =	slt.u32 s3, $0xF8;
	_ =	sdelay $0x3  }
0xe0: {  	v3 =	vadd.f32 v1, v2;
	_ =	sdelay $0x1  }
0xe1: {  	vm0 =	vge.f32 v1, v0;
	v1 =	vmin.f32 v3, $1.000000000e+00  }
0xe2: {  	s2 =	sadd.s32 $0x80, s2;
	v1 =	vnsel vm0, $0x0, v1  }
0xe3: {  	[tilespmem:s2+$0xFFFFFFC0] =	vst v1  }
0xe4: {  	v1 =	vld [tilespmem:s4+$0xFFFFFFD0];
	_ =	sdelay $0x4  }
0xe5: {  	v3 =	vadd.f32 v1, v2;
	_ =	sdelay $0x1  }
0xe6: {  	vm0 =	vge.f32 v1, v0;
	v1 =	vmin.f32 v3, $1.000000000e+00  }
0xe7: {  	v1 =	vnsel vm0, $0x0, v1  }
0xe8: {  	[tilespmem:s2+$0xFFFFFFD0] =	vst v1  }
0xe9: {  	v1 =	vld [tilespmem:s4+$0xFFFFFFE0];
	_ =	sdelay $0x4  }
0xea: {  	v3 =	vadd.f32 v1, v2;
	_ =	sdelay $0x1  }
0xeb: {  	vm0 =	vge.f32 v1, v0;
	v1 =	vmin.f32 v3, $1.000000000e+00  }
0xec: {  	v1 =	vnsel vm0, $0x0, v1  }
0xed: {  	[tilespmem:s2+$0xFFFFFFE0] =	vst v1  }
0xee: {  	v1 =	vld [tilespmem:s4+$0xFFFFFFF0];
	_ =	sdelay $0x4  }
0xef: {  	v3 =	vadd.f32 v1, v2;
	_ =	sdelay $0x1  }
0xf0: {  	vm0 =	vge.f32 v1, v0;
	v1 =	vmin.f32 v3, $1.000000000e+00  }
0xf1: {  	v1 =	vnsel vm0, $0x0, v1  }
0xf2: {  	[tilespmem:s2+$0xFFFFFFF0] =	vst v1  }
0xf3: {  	v1 =	vld [tilespmem:s4+$0x0];
	_ =	sdelay $0x4  }
0xf4: {  	v3 =	vadd.f32 v1, v2;
	_ =	sdelay $0x1  }
0xf5: {  	vm0 =	vge.f32 v1, v0;
	v1 =	vmin.f32 v3, $1.000000000e+00  }
0xf6: {  	v1 =	vnsel vm0, $0x0, v1  }
0xf7: {  	[tilespmem:s2+$0x0] =	vst v1  }
0xf8: {  	v1 =	vld [tilespmem:s4+$0x10];
	_ =	sdelay $0x4  }
0xf9: {  	v3 =	vadd.f32 v1, v2;
	_ =	sdelay $0x1  }
0xfa: {  	vm0 =	vge.f32 v1, v0;
	v1 =	vmin.f32 v3, $1.000000000e+00  }
0xfb: {  	v1 =	vnsel vm0, $0x0, v1  }
0xfc: {  	[tilespmem:s2+$0x10] =	vst v1  }
0xfd: {  	v1 =	vld [tilespmem:s4+$0x20];
	_ =	sdelay $0x4  }
0xfe: {  	v3 =	vadd.f32 v1, v2;
	_ =	sdelay $0x1  }
0xff: {  	vm0 =	vge.f32 v1, v0;
	v1 =	vmin.f32 v3, $1.000000000e+00  }
0x100: {  	v1 =	vnsel vm0, $0x0, v1  }
0x101: {  	[tilespmem:s2+$0x20] =	vst v1  }
0x102: {  	v1 =	vld [tilespmem:s4+$0x30];
	_ =	sdelay $0x4  }
.Ltmp5:
0x103: {  	v3 =	vadd.f32 v1, v2;
	(pc) =	sbr.rel @p1 .LBB2_10-.Ltmp5, $4  }
0x104: {  	_ = 	snop  }
0x105: {  	vm0 =	vge.f32 v1, v0;
	v1 =	vmin.f32 v3, $1.000000000e+00  }
0x106: {  	v1 =	vnsel vm0, $0x0, v1  }
0x107: {  	s4 =	sadd.s32 $0x80, s4;
	[tilespmem:s2+$0x30] =	vst v1  }
0x108: {  	s2 =	simm.s32 $0x0;
	s3 =	simm.s32 $0x1000;
	s31 =	simm.s32 $0x1  }
0x109: {  	[hbm4b:s1+s2] =	stream.linear.scatter [tilespmem:s3], [sflag:$0x1], $0x1000, $0x38;
	[tilespmem:$0x2000] =	vst v63  }
0x10a: {  	_ =	swait.ge [sflag:s31], $0x1000  }
0x10b: {  	[sflag:s31] =	ssyncset.done $0x0  }
0x10c: {  	[sflag:s31] =	ssyncadd.s32 $0xFFFFF000  }
.LBB2_12:
0x10d: {  	_ =	sfence.sel $0x180000  }
0x10e: {  	[bflag:$0x0] =	sbarrier.arrive $0xFFFF  }
0x10f: {  	_ =	strace $0x90000047  }
0x110: {  	s0 =	sadd.s32 @!p0 $0x100000, s0;
	[bflag:$0x2] =	sbarrier.arrive $0xFFFF  }
0x111: {  	[sflag:s0] =	ssyncadd.tile.s32 @!p0 $0x1;
	_ =	shalt  }
.Lfunc_end2:
_tile_overlayer_lowered:
.L_overlay_start_2:
0x112: {  	(tag) =	ssettag $0x2  }
0x113: {  	s0 =	rddreg [dreg:$0x0];
	s2 =	stileid.u32  }
0x114: {  	s1 =	rddreg [dreg:$0x1];
	p0 =	sne.s32 s2, $0x0  }
0x115: {  	s3 =	rddreg [dreg:$0x2];
	[bflag:$0x3] =	sbarrier.arrive $0xFFFF;
	s2 =	simm.s32 @!p0 $0x1C01  }
0x116: {  	[timem:s3], [sflag:s2] =	dma.local @!p0 [hbm:s0], s1  }
0x117: {  	s0 =	simm.s32 @!p0 $0x1  }
0x118: {  	_ =	swait.ge @!p0 [sflag:s0], s1  }
0x119: {  	s1 =	ssub.s32 @!p0 $0x0, s1;
	[sflag:s0] =	ssyncset.done @!p0 $0x0  }
0x11a: {  	[sflag:s0] =	ssyncadd.s32 @!p0 s1  }
0x11b: {  	[bflag:$0x3] =	sbarrier.arrive $0xFFFF  }
0x11c: {  	_ =	shalt  }

</sc_bundles>
